<compile_context>
chip_gen: v7x
topology: tpu7x:2x2x1
jax: 0.10.2.dev20260603
libtpu: 0.0.44.dev20260713+nightly
codegen_flags: <defaults>
</compile_context>

<pallas_src>
import functools

import jax
import jax.numpy as jnp
from jax import lax
from jax.experimental import pallas as pl
from jax.experimental.pallas import tpu as pltpu
from jax.experimental.pallas import tpu_sc as plsc

NAME_DIM = 32
HIDDEN = 64
NUM_WORKERS = 32
LANES = 16
CHUNK = 1024
TC_R = 2048


def _sc_gather(name_table, idx2d, vals2d, zeros128, n):
  rows_per_worker = n // NUM_WORKERS
  chunks = rows_per_worker // CHUNK

  mesh = plsc.VectorSubcoreMesh(core_axis_name="c", subcore_axis_name="s")

  @functools.partial(
      pl.kernel,
      mesh=mesh,
      out_type=(
          jax.ShapeDtypeStruct((n, NAME_DIM), jnp.float32),
          jax.ShapeDtypeStruct((n // 4, 128), jnp.float32),
      ),
      scratch_types=[
          pltpu.VMEM((8, 128), jnp.int32),
          pltpu.VMEM((8, 128), jnp.float32),
          pltpu.VMEM((CHUNK, NAME_DIM), jnp.float32),
          pltpu.VMEM((CHUNK // 4, 128), jnp.float32),
          pltpu.SemaphoreType.DMA,
      ],
      compiler_params=pltpu.CompilerParams(
          use_tc_tiling_on_sc=False, needs_layout_passes=False),
  )
  def gather_kernel(table_hbm, idx_hbm, val_hbm, z_hbm, out_hbm, vi_hbm,
                    idx_v, val_v, rows_v, vi_v, sem):
    wid = lax.axis_index("s") * 2 + lax.axis_index("c")
    idx_row0 = wid * (chunks * 8)
    out0 = wid * rows_per_worker

    pltpu.sync_copy(z_hbm, vi_v)

    iota16 = lax.iota(jnp.int32, LANES)
    rows_base = lax.shift_right_logical(iota16, 2)
    lanes_v = lax.shift_left(iota16 & 3, 5)
    lanes_1 = lanes_v + 1
    ones16 = jnp.ones((LANES,), jnp.float32)

    def chunk_body(i, carry):
      r0 = idx_row0 + i * 8
      tok0 = out0 + i * CHUNK
      pltpu.sync_copy(idx_hbm.at[pl.ds(r0, 8), :], idx_v)
      copies = [
          pltpu.async_copy(
              table_hbm.at[idx_v.at[j]],
              rows_v.at[pl.ds(j * 128, 128), :],
              sem,
          )
          for j in range(8)
      ]
      pltpu.sync_copy(val_hbm.at[pl.ds(r0, 8), :], val_v)

      def group_body(g, carry2):
        v16 = val_v[g // 8, pl.ds((g % 8) * LANES, LANES)]
        rows16 = rows_base + g * 4
        plsc.store_scatter(vi_v, [rows16, lanes_v], v16)
        plsc.store_scatter(vi_v, [rows16, lanes_1], ones16)
        return carry2

      lax.fori_loop(0, CHUNK // LANES, group_body, 0)
      for cp in copies:
        cp.wait()
      plsc.subcore_barrier()
      pltpu.sync_copy(vi_v, vi_hbm.at[pl.ds(tok0 // 4, CHUNK // 4), :])
      pltpu.sync_copy(rows_v, out_hbm.at[pl.ds(tok0, CHUNK), :])
      return carry

    lax.fori_loop(0, chunks, chunk_body, 0)

  return gather_kernel(name_table, idx2d, vals2d, zeros128)


def _tc_body(g_ref, vi_ref, wa_ref, wv_ref, out_ref):
  i = pl.program_id(0)
  m = jnp.dot(g_ref[...], wa_ref[...], preferred_element_type=jnp.float32)
  m = m + jnp.dot(vi_ref[...], wv_ref[...], preferred_element_type=jnp.float32)
  h = jnp.maximum(m, 0.0)
  p = jnp.dot(jnp.ones((1, TC_R), jnp.float32), h,
              preferred_element_type=jnp.float32)

  @pl.when(i == 0)
  def _():
    out_ref[...] = jnp.zeros_like(out_ref)

  out_ref[...] += p


def kernel(test_names, test_values, name_table, W_val, b_val, W_fc, b_fc):
  n = test_names.shape[0]
  idx2d = test_names.reshape(n // 128, 128)
  vals2d = test_values.reshape(n // 128, 128)
  zeros128 = jnp.zeros((CHUNK // 4, 128), jnp.float32)
  table_lin = name_table
  seg_units = (12, 13)
  a = W_fc[:NAME_DIM]
  tail = W_fc[NAME_DIM:]
  u = W_val[0] @ tail
  c = b_val @ tail + b_fc
  wa = jnp.zeros((128, 256), jnp.float32)
  wv = jnp.zeros((128, 256), jnp.float32)
  for q in range(4):
    wa = wa.at[32 * q:32 * q + NAME_DIM, 64 * q:64 * q + HIDDEN].set(a)
    wv = wv.at[32 * q, 64 * q:64 * q + HIDDEN].set(u)
    wv = wv.at[32 * q + 1, 64 * q:64 * q + HIDDEN].set(c)

  partials = []
  tok0 = 0
  for s in range(len(seg_units)):
    seg = seg_units[s] * 32768
    r0 = tok0 // 128
    tok0 += seg
    gathered, vi4 = _sc_gather(
        table_lin, idx2d[r0:r0 + seg // 128],
        vals2d[r0:r0 + seg // 128], zeros128, seg)
    g4 = gathered.reshape(seg // 4, 128)
    grid = (seg // 4) // TC_R
    out = pl.pallas_call(
        _tc_body,
        grid=(grid,),
        in_specs=[
            pl.BlockSpec((TC_R, 128), lambda i: (i, 0)),
            pl.BlockSpec((TC_R, 128), lambda i: (i, 0)),
            pl.BlockSpec((128, 256), lambda i: (0, 0)),
            pl.BlockSpec((128, 256), lambda i: (0, 0)),
        ],
        out_specs=pl.BlockSpec((1, 256), lambda i: (0, 0)),
        out_shape=jax.ShapeDtypeStruct((1, 256), jnp.float32),
    )(g4, vi4, wa, wv)
    partials.append(out[0])
  total = sum(partials) * (1.0 / n)
  return total.reshape(4, HIDDEN).sum(axis=0)

# --- scband reference (transcript-rebuilt; emitter-appended) ---
"""Pipeline reference for scband-window-encoder-12996571038017 (READ-ONLY COPY).

The authoritative reference and input builder live on the scoring server;
editing this copy changes nothing except your own understanding.
"""

import jax, jax.numpy as jnp
import numpy as np

VOCAB = 1000000
NAME_DIM = 32
VALUE_DIM = 32
HIDDEN = 64
N_TESTS = 819200


def setup_inputs(seed: int = 0) -> dict:
    key = jax.random.key(seed)
    k1, k2, k3, k4, k5 = jax.random.split(key, 5)
    test_names = jax.random.randint(k1, (N_TESTS,), 0, VOCAB, dtype=jnp.int32)
    test_values = jax.random.normal(k2, (N_TESTS,), dtype=jnp.float32)
    # learned params
    name_table = jax.random.normal(k3, (VOCAB, NAME_DIM), dtype=jnp.float32) * 0.02
    # value_embedding: Linear(1 -> VALUE_DIM)
    W_val = jax.random.normal(k4, (1, VALUE_DIM), dtype=jnp.float32) * 1.0
    b_val = jnp.zeros((VALUE_DIM,), dtype=jnp.float32)
    # fc: Linear(NAME_DIM + VALUE_DIM -> HIDDEN)
    fan_in = NAME_DIM + VALUE_DIM
    W_fc = jax.random.normal(k5, (fan_in, HIDDEN), dtype=jnp.float32) * (1.0 / np.sqrt(fan_in))
    b_fc = jnp.zeros((HIDDEN,), dtype=jnp.float32)
    return {
        "test_names": test_names,
        "test_values": test_values,
        "name_table": name_table,
        "W_val": W_val,
        "b_val": b_val,
        "W_fc": W_fc,
        "b_fc": b_fc,
    }


def reference(test_names, test_values, name_table, W_val, b_val, W_fc, b_fc):
    # embedding lookup (gather)
    name_embeds = jnp.take(name_table, test_names, axis=0)  # (N, NAME_DIM)
    # value embedding: Linear(1 -> VALUE_DIM)
    vals = test_values[:, None]  # (N, 1)
    value_embeds = vals @ W_val + b_val  # (N, VALUE_DIM)
    combined = jnp.concatenate([name_embeds, value_embeds], axis=-1)  # (N, NAME_DIM+VALUE_DIM)
    hidden = jax.nn.relu(combined @ W_fc + b_fc)  # (N, HIDDEN)
    window_embedding = jnp.mean(hidden, axis=0)  # (HIDDEN,)
    return window_embedding

if __name__ == "__main__":
    import jax
    _d = setup_inputs()
    print(jax.jit(kernel)(*tuple(_d.values())))

</pallas_src>

<mosaic_0001>
#map = affine_map<(d0, d1) -> (0, 0)>
module attributes {stable_mosaic.version = 14 : i64} {
  func.func @gather_kernel(%arg0: i32, %arg1: i32, %arg2: memref<1000000x32xf32, #tpu.memory_space<hbm>>, %arg3: memref<3072x128xi32, #tpu.memory_space<hbm>>, %arg4: memref<3072x128xf32, #tpu.memory_space<hbm>>, %arg5: memref<256x128xf32, #tpu.memory_space<hbm>>, %arg6: memref<393216x32xf32, #tpu.memory_space<hbm>>, %arg7: memref<98304x128xf32, #tpu.memory_space<hbm>>, %arg8: memref<8x128xi32, #tpu.memory_space<vmem>>, %arg9: memref<8x128xf32, #tpu.memory_space<vmem>>, %arg10: memref<1024x32xf32, #tpu.memory_space<vmem>>, %arg11: memref<256x128xf32, #tpu.memory_space<vmem>>, %arg12: memref<!tpu.dma_semaphore, #tpu.memory_space<semaphore_mem>>) attributes {dimension_semantics = [#tpu.dimension_semantics<core_parallel>, #tpu.dimension_semantics<subcore_parallel>], iteration_bounds = array<i64: 2, 16>, scalar_prefetch = 0 : i64, scratch_operands = 5 : i64, tpu.core_type = #tpu.core_type<sc_vector_subcore>, window_params = [{transform_indices = #map}, {transform_indices = #map}, {transform_indices = #map}, {transform_indices = #map}, {transform_indices = #map}, {transform_indices = #map}]} {
    %mul3A = arith.constant 2 : i32
    %mul3A_0 = arith.muli %arg1, %mul3A : i32
    %add3A = arith.addi %mul3A_0, %arg0 : i32
    %mul3A_1 = arith.constant 96 : i32
    %mul3A_2 = arith.muli %add3A, %mul3A_1 : i32
    %mul3A_3 = arith.constant 12288 : i32
    %mul3A_4 = arith.muli %add3A, %mul3A_3 : i32
    "tpu.region"() ({
      %run_scoped3A = tpu.sem_alloc : memref<!tpu.dma_semaphore, #tpu.memory_space<semaphore_mem>>
      tpu.enqueue_dma source(%arg5 : memref<256x128xf32, #tpu.memory_space<hbm>>) target(%arg11 : memref<256x128xf32, #tpu.memory_space<vmem>>) target_semaphore(%run_scoped3A : memref<!tpu.dma_semaphore, #tpu.memory_space<semaphore_mem>>)
      tpu.wait_dma2 semaphore(%run_scoped3A : memref<!tpu.dma_semaphore, #tpu.memory_space<semaphore_mem>>) src(%arg5 : memref<256x128xf32, #tpu.memory_space<hbm>>) dst(%arg11 : memref<256x128xf32, #tpu.memory_space<vmem>>)
      tpu.yield
    }) : () -> ()
    %iota3A = tpu.iota {dimensions = array<i32: 0>} : vector<16xi32>
    %shift_right_logical3A = arith.constant 2 : i32
    %shift_right_logical3A_5 = vector.broadcast %shift_right_logical3A : i32 to vector<16xi32>
    %shift_right_logical3A_6 = arith.shrui %iota3A, %shift_right_logical3A_5 : vector<16xi32>
    %and3A = arith.constant 3 : i32
    %and3A_7 = vector.broadcast %and3A : i32 to vector<16xi32>
    %and3A_8 = arith.andi %iota3A, %and3A_7 : vector<16xi32>
    %shift_left3A = arith.constant 5 : i32
    %shift_left3A_9 = vector.broadcast %shift_left3A : i32 to vector<16xi32>
    %shift_left3A_10 = arith.shli %and3A_8, %shift_left3A_9 : vector<16xi32>
    %add3A_11 = arith.constant 1 : i32
    %add3A_12 = vector.broadcast %add3A_11 : i32 to vector<16xi32>
    %add3A_13 = arith.addi %shift_left3A_10, %add3A_12 : vector<16xi32>
    %broadcast_in_dim3A = arith.constant 1.000000e+00 : f32
    %broadcast_in_dim3A_14 = vector.broadcast %broadcast_in_dim3A : f32 to vector<16xf32>
    %scan3A = arith.constant 0 : i32
    %scan3A_15 = arith.constant 0 : i32
    %scan3A_16 = arith.constant 12 : i32
    %scan3A_17 = arith.addi %scan3A_15, %scan3A_16 : i32
    %scan3A_18 = arith.constant 1 : i32
    scf.for %scan3A_20 = %scan3A_15 to %scan3A_17 step %scan3A_18  : i32 {
      %mul3A_21 = arith.constant 8 : i32
      %mul3A_22 = arith.muli %scan3A_20, %mul3A_21 : i32
      %add3A_23 = arith.addi %mul3A_2, %mul3A_22 : i32
      %mul3A_24 = arith.constant 1024 : i32
      %mul3A_25 = arith.muli %scan3A_20, %mul3A_24 : i32
      %add3A_26 = arith.addi %mul3A_4, %mul3A_25 : i32
      "tpu.region"() ({
        %run_scoped3A = tpu.sem_alloc : memref<!tpu.dma_semaphore, #tpu.memory_space<semaphore_mem>>
        %dma_start3A_208 = arith.constant 0 : i32
        %dma_start3A_209 = tpu.memref_slice %arg3[%add3A_23, %dma_start3A_208] : memref<3072x128xi32, #tpu.memory_space<hbm>> -> memref<8x128xi32, #tpu.memory_space<hbm>>
        %dma_start3A_210 = arith.constant 0 : i32
        %dma_start3A_211 = tpu.memref_slice %arg3[%add3A_23, %dma_start3A_210] : memref<3072x128xi32, #tpu.memory_space<hbm>> -> memref<8x128xi32, #tpu.memory_space<hbm>>
        tpu.enqueue_dma source(%dma_start3A_211 : memref<8x128xi32, #tpu.memory_space<hbm>>) target(%arg8 : memref<8x128xi32, #tpu.memory_space<vmem>>) target_semaphore(%run_scoped3A : memref<!tpu.dma_semaphore, #tpu.memory_space<semaphore_mem>>)
        %dma_wait3A_212 = arith.constant 0 : i32
        %dma_wait3A_213 = tpu.memref_slice %arg3[%add3A_23, %dma_wait3A_212] : memref<3072x128xi32, #tpu.memory_space<hbm>> -> memref<8x128xi32, #tpu.memory_space<hbm>>
        %dma_wait3A_214 = arith.constant 0 : i32
        %dma_wait3A_215 = tpu.memref_slice %arg3[%add3A_23, %dma_wait3A_214] : memref<3072x128xi32, #tpu.memory_space<hbm>> -> memref<8x128xi32, #tpu.memory_space<hbm>>
        tpu.wait_dma2 semaphore(%run_scoped3A : memref<!tpu.dma_semaphore, #tpu.memory_space<semaphore_mem>>) src(%dma_wait3A_215 : memref<8x128xi32, #tpu.memory_space<hbm>>) dst(%arg8 : memref<8x128xi32, #tpu.memory_space<vmem>>)
        tpu.yield
      }) : () -> ()
      %dma_start3A = arith.constant 0 : i32
      %dma_start3A_27 = arith.constant 0 : i32
      %dma_start3A_28 = arith.constant 0 : i32
      %dma_start3A_29 = tpu.memref_slice %arg10[%dma_start3A_27, %dma_start3A_28] : memref<1024x32xf32, #tpu.memory_space<vmem>> -> memref<128x32xf32, #tpu.memory_space<vmem>>
      %dma_start3A_30 = arith.constant 0 : i32
      %dma_start3A_31 = tpu.memref_slice %arg8[%dma_start3A, %dma_start3A_30] : memref<8x128xi32, #tpu.memory_space<vmem>> -> memref<1x128xi32, #tpu.memory_space<vmem>>
      %dma_start3A_32 = tpu.memref_squeeze %dma_start3A_31 : memref<1x128xi32, #tpu.memory_space<vmem>> -> memref<128xi32, #tpu.memory_space<vmem>>
      %dma_start3A_33 = arith.constant 0 : i32
      %dma_start3A_34 = arith.constant 0 : i32
      %dma_start3A_35 = tpu.memref_slice %arg2[%dma_start3A_33, %dma_start3A_34] : memref<1000000x32xf32, #tpu.memory_space<hbm>> -> memref<1000000x32xf32, #tpu.memory_space<hbm>>
      tpu.enqueue_indirect_dma source(%dma_start3A_35 : memref<1000000x32xf32, #tpu.memory_space<hbm>>) target(%dma_start3A_29 : memref<128x32xf32, #tpu.memory_space<vmem>>) offsets(%dma_start3A_32 : memref<128xi32, #tpu.memory_space<vmem>>) semaphore(%arg12 : memref<!tpu.dma_semaphore, #tpu.memory_space<semaphore_mem>>)
      %dma_start3A_36 = arith.constant 1 : i32
      %dma_start3A_37 = arith.constant 128 : i32
      %dma_start3A_38 = arith.constant 0 : i32
      %dma_start3A_39 = tpu.memref_slice %arg10[%dma_start3A_37, %dma_start3A_38] : memref<1024x32xf32, #tpu.memory_space<vmem>> -> memref<128x32xf32, #tpu.memory_space<vmem>>
      %dma_start3A_40 = arith.constant 0 : i32
      %dma_start3A_41 = tpu.memref_slice %arg8[%dma_start3A_36, %dma_start3A_40] : memref<8x128xi32, #tpu.memory_space<vmem>> -> memref<1x128xi32, #tpu.memory_space<vmem>>
      %dma_start3A_42 = tpu.memref_squeeze %dma_start3A_41 : memref<1x128xi32, #tpu.memory_space<vmem>> -> memref<128xi32, #tpu.memory_space<vmem>>
      %dma_start3A_43 = arith.constant 0 : i32
      %dma_start3A_44 = arith.constant 0 : i32
      %dma_start3A_45 = tpu.memref_slice %arg2[%dma_start3A_43, %dma_start3A_44] : memref<1000000x32xf32, #tpu.memory_space<hbm>> -> memref<1000000x32xf32, #tpu.memory_space<hbm>>
      tpu.enqueue_indirect_dma source(%dma_start3A_45 : memref<1000000x32xf32, #tpu.memory_space<hbm>>) target(%dma_start3A_39 : memref<128x32xf32, #tpu.memory_space<vmem>>) offsets(%dma_start3A_42 : memref<128xi32, #tpu.memory_space<vmem>>) semaphore(%arg12 : memref<!tpu.dma_semaphore, #tpu.memory_space<semaphore_mem>>)
      %dma_start3A_46 = arith.constant 2 : i32
      %dma_start3A_47 = arith.constant 256 : i32
      %dma_start3A_48 = arith.constant 0 : i32
      %dma_start3A_49 = tpu.memref_slice %arg10[%dma_start3A_47, %dma_start3A_48] : memref<1024x32xf32, #tpu.memory_space<vmem>> -> memref<128x32xf32, #tpu.memory_space<vmem>>
      %dma_start3A_50 = arith.constant 0 : i32
      %dma_start3A_51 = tpu.memref_slice %arg8[%dma_start3A_46, %dma_start3A_50] : memref<8x128xi32, #tpu.memory_space<vmem>> -> memref<1x128xi32, #tpu.memory_space<vmem>>
      %dma_start3A_52 = tpu.memref_squeeze %dma_start3A_51 : memref<1x128xi32, #tpu.memory_space<vmem>> -> memref<128xi32, #tpu.memory_space<vmem>>
      %dma_start3A_53 = arith.constant 0 : i32
      %dma_start3A_54 = arith.constant 0 : i32
      %dma_start3A_55 = tpu.memref_slice %arg2[%dma_start3A_53, %dma_start3A_54] : memref<1000000x32xf32, #tpu.memory_space<hbm>> -> memref<1000000x32xf32, #tpu.memory_space<hbm>>
      tpu.enqueue_indirect_dma source(%dma_start3A_55 : memref<1000000x32xf32, #tpu.memory_space<hbm>>) target(%dma_start3A_49 : memref<128x32xf32, #tpu.memory_space<vmem>>) offsets(%dma_start3A_52 : memref<128xi32, #tpu.memory_space<vmem>>) semaphore(%arg12 : memref<!tpu.dma_semaphore, #tpu.memory_space<semaphore_mem>>)
      %dma_start3A_56 = arith.constant 3 : i32
      %dma_start3A_57 = arith.constant 384 : i32
      %dma_start3A_58 = arith.constant 0 : i32
      %dma_start3A_59 = tpu.memref_slice %arg10[%dma_start3A_57, %dma_start3A_58] : memref<1024x32xf32, #tpu.memory_space<vmem>> -> memref<128x32xf32, #tpu.memory_space<vmem>>
      %dma_start3A_60 = arith.constant 0 : i32
      %dma_start3A_61 = tpu.memref_slice %arg8[%dma_start3A_56, %dma_start3A_60] : memref<8x128xi32, #tpu.memory_space<vmem>> -> memref<1x128xi32, #tpu.memory_space<vmem>>
      %dma_start3A_62 = tpu.memref_squeeze %dma_start3A_61 : memref<1x128xi32, #tpu.memory_space<vmem>> -> memref<128xi32, #tpu.memory_space<vmem>>
      %dma_start3A_63 = arith.constant 0 : i32
      %dma_start3A_64 = arith.constant 0 : i32
      %dma_start3A_65 = tpu.memref_slice %arg2[%dma_start3A_63, %dma_start3A_64] : memref<1000000x32xf32, #tpu.memory_space<hbm>> -> memref<1000000x32xf32, #tpu.memory_space<hbm>>
      tpu.enqueue_indirect_dma source(%dma_start3A_65 : memref<1000000x32xf32, #tpu.memory_space<hbm>>) target(%dma_start3A_59 : memref<128x32xf32, #tpu.memory_space<vmem>>) offsets(%dma_start3A_62 : memref<128xi32, #tpu.memory_space<vmem>>) semaphore(%arg12 : memref<!tpu.dma_semaphore, #tpu.memory_space<semaphore_mem>>)
      %dma_start3A_66 = arith.constant 4 : i32
      %dma_start3A_67 = arith.constant 512 : i32
      %dma_start3A_68 = arith.constant 0 : i32
      %dma_start3A_69 = tpu.memref_slice %arg10[%dma_start3A_67, %dma_start3A_68] : memref<1024x32xf32, #tpu.memory_space<vmem>> -> memref<128x32xf32, #tpu.memory_space<vmem>>
      %dma_start3A_70 = arith.constant 0 : i32
      %dma_start3A_71 = tpu.memref_slice %arg8[%dma_start3A_66, %dma_start3A_70] : memref<8x128xi32, #tpu.memory_space<vmem>> -> memref<1x128xi32, #tpu.memory_space<vmem>>
      %dma_start3A_72 = tpu.memref_squeeze %dma_start3A_71 : memref<1x128xi32, #tpu.memory_space<vmem>> -> memref<128xi32, #tpu.memory_space<vmem>>
      %dma_start3A_73 = arith.constant 0 : i32
      %dma_start3A_74 = arith.constant 0 : i32
      %dma_start3A_75 = tpu.memref_slice %arg2[%dma_start3A_73, %dma_start3A_74] : memref<1000000x32xf32, #tpu.memory_space<hbm>> -> memref<1000000x32xf32, #tpu.memory_space<hbm>>
      tpu.enqueue_indirect_dma source(%dma_start3A_75 : memref<1000000x32xf32, #tpu.memory_space<hbm>>) target(%dma_start3A_69 : memref<128x32xf32, #tpu.memory_space<vmem>>) offsets(%dma_start3A_72 : memref<128xi32, #tpu.memory_space<vmem>>) semaphore(%arg12 : memref<!tpu.dma_semaphore, #tpu.memory_space<semaphore_mem>>)
      %dma_start3A_76 = arith.constant 5 : i32
      %dma_start3A_77 = arith.constant 640 : i32
      %dma_start3A_78 = arith.constant 0 : i32
      %dma_start3A_79 = tpu.memref_slice %arg10[%dma_start3A_77, %dma_start3A_78] : memref<1024x32xf32, #tpu.memory_space<vmem>> -> memref<128x32xf32, #tpu.memory_space<vmem>>
      %dma_start3A_80 = arith.constant 0 : i32
      %dma_start3A_81 = tpu.memref_slice %arg8[%dma_start3A_76, %dma_start3A_80] : memref<8x128xi32, #tpu.memory_space<vmem>> -> memref<1x128xi32, #tpu.memory_space<vmem>>
      %dma_start3A_82 = tpu.memref_squeeze %dma_start3A_81 : memref<1x128xi32, #tpu.memory_space<vmem>> -> memref<128xi32, #tpu.memory_space<vmem>>
      %dma_start3A_83 = arith.constant 0 : i32
      %dma_start3A_84 = arith.constant 0 : i32
      %dma_start3A_85 = tpu.memref_slice %arg2[%dma_start3A_83, %dma_start3A_84] : memref<1000000x32xf32, #tpu.memory_space<hbm>> -> memref<1000000x32xf32, #tpu.memory_space<hbm>>
      tpu.enqueue_indirect_dma source(%dma_start3A_85 : memref<1000000x32xf32, #tpu.memory_space<hbm>>) target(%dma_start3A_79 : memref<128x32xf32, #tpu.memory_space<vmem>>) offsets(%dma_start3A_82 : memref<128xi32, #tpu.memory_space<vmem>>) semaphore(%arg12 : memref<!tpu.dma_semaphore, #tpu.memory_space<semaphore_mem>>)
      %dma_start3A_86 = arith.constant 6 : i32
      %dma_start3A_87 = arith.constant 768 : i32
      %dma_start3A_88 = arith.constant 0 : i32
      %dma_start3A_89 = tpu.memref_slice %arg10[%dma_start3A_87, %dma_start3A_88] : memref<1024x32xf32, #tpu.memory_space<vmem>> -> memref<128x32xf32, #tpu.memory_space<vmem>>
      %dma_start3A_90 = arith.constant 0 : i32
      %dma_start3A_91 = tpu.memref_slice %arg8[%dma_start3A_86, %dma_start3A_90] : memref<8x128xi32, #tpu.memory_space<vmem>> -> memref<1x128xi32, #tpu.memory_space<vmem>>
      %dma_start3A_92 = tpu.memref_squeeze %dma_start3A_91 : memref<1x128xi32, #tpu.memory_space<vmem>> -> memref<128xi32, #tpu.memory_space<vmem>>
      %dma_start3A_93 = arith.constant 0 : i32
      %dma_start3A_94 = arith.constant 0 : i32
      %dma_start3A_95 = tpu.memref_slice %arg2[%dma_start3A_93, %dma_start3A_94] : memref<1000000x32xf32, #tpu.memory_space<hbm>> -> memref<1000000x32xf32, #tpu.memory_space<hbm>>
      tpu.enqueue_indirect_dma source(%dma_start3A_95 : memref<1000000x32xf32, #tpu.memory_space<hbm>>) target(%dma_start3A_89 : memref<128x32xf32, #tpu.memory_space<vmem>>) offsets(%dma_start3A_92 : memref<128xi32, #tpu.memory_space<vmem>>) semaphore(%arg12 : memref<!tpu.dma_semaphore, #tpu.memory_space<semaphore_mem>>)
      %dma_start3A_96 = arith.constant 7 : i32
      %dma_start3A_97 = arith.constant 896 : i32
      %dma_start3A_98 = arith.constant 0 : i32
      %dma_start3A_99 = tpu.memref_slice %arg10[%dma_start3A_97, %dma_start3A_98] : memref<1024x32xf32, #tpu.memory_space<vmem>> -> memref<128x32xf32, #tpu.memory_space<vmem>>
      %dma_start3A_100 = arith.constant 0 : i32
      %dma_start3A_101 = tpu.memref_slice %arg8[%dma_start3A_96, %dma_start3A_100] : memref<8x128xi32, #tpu.memory_space<vmem>> -> memref<1x128xi32, #tpu.memory_space<vmem>>
      %dma_start3A_102 = tpu.memref_squeeze %dma_start3A_101 : memref<1x128xi32, #tpu.memory_space<vmem>> -> memref<128xi32, #tpu.memory_space<vmem>>
      %dma_start3A_103 = arith.constant 0 : i32
      %dma_start3A_104 = arith.constant 0 : i32
      %dma_start3A_105 = tpu.memref_slice %arg2[%dma_start3A_103, %dma_start3A_104] : memref<1000000x32xf32, #tpu.memory_space<hbm>> -> memref<1000000x32xf32, #tpu.memory_space<hbm>>
      tpu.enqueue_indirect_dma source(%dma_start3A_105 : memref<1000000x32xf32, #tpu.memory_space<hbm>>) target(%dma_start3A_99 : memref<128x32xf32, #tpu.memory_space<vmem>>) offsets(%dma_start3A_102 : memref<128xi32, #tpu.memory_space<vmem>>) semaphore(%arg12 : memref<!tpu.dma_semaphore, #tpu.memory_space<semaphore_mem>>)
      "tpu.region"() ({
        %run_scoped3A = tpu.sem_alloc : memref<!tpu.dma_semaphore, #tpu.memory_space<semaphore_mem>>
        %dma_start3A_208 = arith.constant 0 : i32
        %dma_start3A_209 = tpu.memref_slice %arg4[%add3A_23, %dma_start3A_208] : memref<3072x128xf32, #tpu.memory_space<hbm>> -> memref<8x128xf32, #tpu.memory_space<hbm>>
        %dma_start3A_210 = arith.constant 0 : i32
        %dma_start3A_211 = tpu.memref_slice %arg4[%add3A_23, %dma_start3A_210] : memref<3072x128xf32, #tpu.memory_space<hbm>> -> memref<8x128xf32, #tpu.memory_space<hbm>>
        tpu.enqueue_dma source(%dma_start3A_211 : memref<8x128xf32, #tpu.memory_space<hbm>>) target(%arg9 : memref<8x128xf32, #tpu.memory_space<vmem>>) target_semaphore(%run_scoped3A : memref<!tpu.dma_semaphore, #tpu.memory_space<semaphore_mem>>)
        %dma_wait3A_212 = arith.constant 0 : i32
        %dma_wait3A_213 = tpu.memref_slice %arg4[%add3A_23, %dma_wait3A_212] : memref<3072x128xf32, #tpu.memory_space<hbm>> -> memref<8x128xf32, #tpu.memory_space<hbm>>
        %dma_wait3A_214 = arith.constant 0 : i32
        %dma_wait3A_215 = tpu.memref_slice %arg4[%add3A_23, %dma_wait3A_214] : memref<3072x128xf32, #tpu.memory_space<hbm>> -> memref<8x128xf32, #tpu.memory_space<hbm>>
        tpu.wait_dma2 semaphore(%run_scoped3A : memref<!tpu.dma_semaphore, #tpu.memory_space<semaphore_mem>>) src(%dma_wait3A_215 : memref<8x128xf32, #tpu.memory_space<hbm>>) dst(%arg9 : memref<8x128xf32, #tpu.memory_space<vmem>>)
        tpu.yield
      }) : () -> ()
      %scan3A_106 = arith.constant 0 : i32
      %scan3A_107 = arith.constant 0 : i32
      %scan3A_108 = arith.constant 64 : i32
      %scan3A_109 = arith.addi %scan3A_107, %scan3A_108 : i32
      %scan3A_110 = arith.constant 1 : i32
      scf.for %scan3A_208 = %scan3A_107 to %scan3A_109 step %scan3A_110  : i32 {
        %jit3A_209 = arith.constant 8 : i32
        %div3A_210 = arith.divsi %scan3A_208, %jit3A_209 : i32
        %sign3A_211 = arith.constant 0 : i32
        %sign3A_212 = arith.cmpi sgt, %scan3A_208, %sign3A_211 : i32
        %sign3A_213 = arith.extui %sign3A_212 : i1 to i32
        %sign3A_214 = arith.constant 0 : i32
        %sign3A_215 = arith.cmpi slt, %scan3A_208, %sign3A_214 : i32
        %sign3A_216 = arith.extui %sign3A_215 : i1 to i32
        %sign3A_217 = arith.subi %sign3A_213, %sign3A_216 : i32
        %sign3A_218 = arith.constant 0 : i32
        %sign3A_219 = arith.cmpi sgt, %jit3A_209, %sign3A_218 : i32
        %sign3A_220 = arith.extui %sign3A_219 : i1 to i32
        %sign3A_221 = arith.constant 0 : i32
        %sign3A_222 = arith.cmpi slt, %jit3A_209, %sign3A_221 : i32
        %sign3A_223 = arith.extui %sign3A_222 : i1 to i32
        %sign3A_224 = arith.subi %sign3A_220, %sign3A_223 : i32
        %ne3A_225 = arith.cmpi ne, %sign3A_217, %sign3A_224 : i32
        %rem3A_226 = arith.remsi %scan3A_208, %jit3A_209 : i32
        %ne3A_227 = arith.constant 0 : i32
        %ne3A_228 = arith.cmpi ne, %rem3A_226, %ne3A_227 : i32
        %and3A_229 = arith.andi %ne3A_225, %ne3A_228 : i1
        %sub3A_230 = arith.constant 1 : i32
        %sub3A_231 = arith.subi %div3A_210, %sub3A_230 : i32
        %select_n3A_232 = arith.select %and3A_229, %sub3A_231, %div3A_210 : i32
        %jit3A_233 = arith.constant 8 : i32
        %eq3A = arith.constant 0 : i32
        %eq3A_234 = arith.cmpi eq, %jit3A_233, %eq3A : i32
        %jit3A_235 = arith.constant 1 : i32
        %select_n3A_236 = arith.select %eq3A_234, %jit3A_235, %jit3A_233 : i32
        %rem3A_237 = arith.remsi %scan3A_208, %select_n3A_236 : i32
        %ne3A_238 = arith.constant 0 : i32
        %ne3A_239 = arith.cmpi ne, %rem3A_237, %ne3A_238 : i32
        %lt3A = arith.constant 0 : i32
        %lt3A_240 = arith.cmpi slt, %rem3A_237, %lt3A : i32
        %lt3A_241 = arith.constant 0 : i32
        %lt3A_242 = arith.cmpi slt, %select_n3A_236, %lt3A_241 : i32
        %ne3A_243 = arith.xori %lt3A_240, %lt3A_242 : i1
        %and3A_244 = arith.andi %ne3A_243, %ne3A_239 : i1
        %add3A_245 = arith.addi %rem3A_237, %select_n3A_236 : i32
        %select_n3A_246 = arith.select %and3A_244, %add3A_245, %rem3A_237 : i32
        %mul3A_247 = arith.constant 16 : i32
        %mul3A_248 = arith.muli %select_n3A_246, %mul3A_247 : i32
        %get3A = arith.index_cast %select_n3A_232 : i32 to index
        %get3A_249 = arith.index_cast %mul3A_248 : i32 to index
        %get3A_250 = tpu.vector_load %arg9[%get3A, %get3A_249] {strides = array<i32>} : memref<8x128xf32, #tpu.memory_space<vmem>>, vector<16xf32>,
        %mul3A_251 = arith.constant 4 : i32
        %mul3A_252 = arith.muli %scan3A_208, %mul3A_251 : i32
        %add3A_253 = vector.broadcast %mul3A_252 : i32 to vector<16xi32>
        %add3A_254 = arith.addi %shift_right_logical3A_6, %add3A_253 : vector<16xi32>
        tpu.vector_store_idx %arg11[%add3A_254, %shift_left3A_10], %get3A_250 : memref<256x128xf32, #tpu.memory_space<vmem>>[vector<16xi32>, vector<16xi32>], vector<16xf32>,
        tpu.vector_store_idx %arg11[%add3A_254, %add3A_13], %broadcast_in_dim3A_14 : memref<256x128xf32, #tpu.memory_space<vmem>>[vector<16xi32>, vector<16xi32>], vector<16xf32>,
      }
      %scan3A_111 = arith.constant 64 : i32
      %dma_wait3A = arith.constant 0 : i32
      %dma_wait3A_112 = arith.constant 0 : i32
      %dma_wait3A_113 = arith.constant 0 : i32
      %dma_wait3A_114 = tpu.memref_slice %arg10[%dma_wait3A_112, %dma_wait3A_113] : memref<1024x32xf32, #tpu.memory_space<vmem>> -> memref<128x32xf32, #tpu.memory_space<vmem>>
      %dma_wait3A_115 = arith.constant 0 : i32
      %dma_wait3A_116 = tpu.memref_slice %arg8[%dma_wait3A, %dma_wait3A_115] : memref<8x128xi32, #tpu.memory_space<vmem>> -> memref<1x128xi32, #tpu.memory_space<vmem>>
      %dma_wait3A_117 = tpu.memref_squeeze %dma_wait3A_116 : memref<1x128xi32, #tpu.memory_space<vmem>> -> memref<128xi32, #tpu.memory_space<vmem>>
      %dma_wait3A_118 = arith.constant 0 : i32
      %dma_wait3A_119 = arith.constant 0 : i32
      %dma_wait3A_120 = tpu.memref_slice %arg2[%dma_wait3A_118, %dma_wait3A_119] : memref<1000000x32xf32, #tpu.memory_space<hbm>> -> memref<1000000x32xf32, #tpu.memory_space<hbm>>
      tpu.wait_indirect_dma semaphore(%arg12 : memref<!tpu.dma_semaphore, #tpu.memory_space<semaphore_mem>>) src(%dma_wait3A_120 : memref<1000000x32xf32, #tpu.memory_space<hbm>>) dst(%dma_wait3A_114 : memref<128x32xf32, #tpu.memory_space<vmem>>)
      %dma_wait3A_121 = arith.constant 1 : i32
      %dma_wait3A_122 = arith.constant 128 : i32
      %dma_wait3A_123 = arith.constant 0 : i32
      %dma_wait3A_124 = tpu.memref_slice %arg10[%dma_wait3A_122, %dma_wait3A_123] : memref<1024x32xf32, #tpu.memory_space<vmem>> -> memref<128x32xf32, #tpu.memory_space<vmem>>
      %dma_wait3A_125 = arith.constant 0 : i32
      %dma_wait3A_126 = tpu.memref_slice %arg8[%dma_wait3A_121, %dma_wait3A_125] : memref<8x128xi32, #tpu.memory_space<vmem>> -> memref<1x128xi32, #tpu.memory_space<vmem>>
      %dma_wait3A_127 = tpu.memref_squeeze %dma_wait3A_126 : memref<1x128xi32, #tpu.memory_space<vmem>> -> memref<128xi32, #tpu.memory_space<vmem>>
      %dma_wait3A_128 = arith.constant 0 : i32
      %dma_wait3A_129 = arith.constant 0 : i32
      %dma_wait3A_130 = tpu.memref_slice %arg2[%dma_wait3A_128, %dma_wait3A_129] : memref<1000000x32xf32, #tpu.memory_space<hbm>> -> memref<1000000x32xf32, #tpu.memory_space<hbm>>
      tpu.wait_indirect_dma semaphore(%arg12 : memref<!tpu.dma_semaphore, #tpu.memory_space<semaphore_mem>>) src(%dma_wait3A_130 : memref<1000000x32xf32, #tpu.memory_space<hbm>>) dst(%dma_wait3A_124 : memref<128x32xf32, #tpu.memory_space<vmem>>)
      %dma_wait3A_131 = arith.constant 2 : i32
      %dma_wait3A_132 = arith.constant 256 : i32
      %dma_wait3A_133 = arith.constant 0 : i32
      %dma_wait3A_134 = tpu.memref_slice %arg10[%dma_wait3A_132, %dma_wait3A_133] : memref<1024x32xf32, #tpu.memory_space<vmem>> -> memref<128x32xf32, #tpu.memory_space<vmem>>
      %dma_wait3A_135 = arith.constant 0 : i32
      %dma_wait3A_136 = tpu.memref_slice %arg8[%dma_wait3A_131, %dma_wait3A_135] : memref<8x128xi32, #tpu.memory_space<vmem>> -> memref<1x128xi32, #tpu.memory_space<vmem>>
      %dma_wait3A_137 = tpu.memref_squeeze %dma_wait3A_136 : memref<1x128xi32, #tpu.memory_space<vmem>> -> memref<128xi32, #tpu.memory_space<vmem>>
      %dma_wait3A_138 = arith.constant 0 : i32
      %dma_wait3A_139 = arith.constant 0 : i32
      %dma_wait3A_140 = tpu.memref_slice %arg2[%dma_wait3A_138, %dma_wait3A_139] : memref<1000000x32xf32, #tpu.memory_space<hbm>> -> memref<1000000x32xf32, #tpu.memory_space<hbm>>
      tpu.wait_indirect_dma semaphore(%arg12 : memref<!tpu.dma_semaphore, #tpu.memory_space<semaphore_mem>>) src(%dma_wait3A_140 : memref<1000000x32xf32, #tpu.memory_space<hbm>>) dst(%dma_wait3A_134 : memref<128x32xf32, #tpu.memory_space<vmem>>)
      %dma_wait3A_141 = arith.constant 3 : i32
      %dma_wait3A_142 = arith.constant 384 : i32
      %dma_wait3A_143 = arith.constant 0 : i32
      %dma_wait3A_144 = tpu.memref_slice %arg10[%dma_wait3A_142, %dma_wait3A_143] : memref<1024x32xf32, #tpu.memory_space<vmem>> -> memref<128x32xf32, #tpu.memory_space<vmem>>
      %dma_wait3A_145 = arith.constant 0 : i32
      %dma_wait3A_146 = tpu.memref_slice %arg8[%dma_wait3A_141, %dma_wait3A_145] : memref<8x128xi32, #tpu.memory_space<vmem>> -> memref<1x128xi32, #tpu.memory_space<vmem>>
      %dma_wait3A_147 = tpu.memref_squeeze %dma_wait3A_146 : memref<1x128xi32, #tpu.memory_space<vmem>> -> memref<128xi32, #tpu.memory_space<vmem>>
      %dma_wait3A_148 = arith.constant 0 : i32
      %dma_wait3A_149 = arith.constant 0 : i32
      %dma_wait3A_150 = tpu.memref_slice %arg2[%dma_wait3A_148, %dma_wait3A_149] : memref<1000000x32xf32, #tpu.memory_space<hbm>> -> memref<1000000x32xf32, #tpu.memory_space<hbm>>
      tpu.wait_indirect_dma semaphore(%arg12 : memref<!tpu.dma_semaphore, #tpu.memory_space<semaphore_mem>>) src(%dma_wait3A_150 : memref<1000000x32xf32, #tpu.memory_space<hbm>>) dst(%dma_wait3A_144 : memref<128x32xf32, #tpu.memory_space<vmem>>)
      %dma_wait3A_151 = arith.constant 4 : i32
      %dma_wait3A_152 = arith.constant 512 : i32
      %dma_wait3A_153 = arith.constant 0 : i32
      %dma_wait3A_154 = tpu.memref_slice %arg10[%dma_wait3A_152, %dma_wait3A_153] : memref<1024x32xf32, #tpu.memory_space<vmem>> -> memref<128x32xf32, #tpu.memory_space<vmem>>
      %dma_wait3A_155 = arith.constant 0 : i32
      %dma_wait3A_156 = tpu.memref_slice %arg8[%dma_wait3A_151, %dma_wait3A_155] : memref<8x128xi32, #tpu.memory_space<vmem>> -> memref<1x128xi32, #tpu.memory_space<vmem>>
      %dma_wait3A_157 = tpu.memref_squeeze %dma_wait3A_156 : memref<1x128xi32, #tpu.memory_space<vmem>> -> memref<128xi32, #tpu.memory_space<vmem>>
      %dma_wait3A_158 = arith.constant 0 : i32
      %dma_wait3A_159 = arith.constant 0 : i32
      %dma_wait3A_160 = tpu.memref_slice %arg2[%dma_wait3A_158, %dma_wait3A_159] : memref<1000000x32xf32, #tpu.memory_space<hbm>> -> memref<1000000x32xf32, #tpu.memory_space<hbm>>
      tpu.wait_indirect_dma semaphore(%arg12 : memref<!tpu.dma_semaphore, #tpu.memory_space<semaphore_mem>>) src(%dma_wait3A_160 : memref<1000000x32xf32, #tpu.memory_space<hbm>>) dst(%dma_wait3A_154 : memref<128x32xf32, #tpu.memory_space<vmem>>)
      %dma_wait3A_161 = arith.constant 5 : i32
      %dma_wait3A_162 = arith.constant 640 : i32
      %dma_wait3A_163 = arith.constant 0 : i32
      %dma_wait3A_164 = tpu.memref_slice %arg10[%dma_wait3A_162, %dma_wait3A_163] : memref<1024x32xf32, #tpu.memory_space<vmem>> -> memref<128x32xf32, #tpu.memory_space<vmem>>
      %dma_wait3A_165 = arith.constant 0 : i32
      %dma_wait3A_166 = tpu.memref_slice %arg8[%dma_wait3A_161, %dma_wait3A_165] : memref<8x128xi32, #tpu.memory_space<vmem>> -> memref<1x128xi32, #tpu.memory_space<vmem>>
      %dma_wait3A_167 = tpu.memref_squeeze %dma_wait3A_166 : memref<1x128xi32, #tpu.memory_space<vmem>> -> memref<128xi32, #tpu.memory_space<vmem>>
      %dma_wait3A_168 = arith.constant 0 : i32
      %dma_wait3A_169 = arith.constant 0 : i32
      %dma_wait3A_170 = tpu.memref_slice %arg2[%dma_wait3A_168, %dma_wait3A_169] : memref<1000000x32xf32, #tpu.memory_space<hbm>> -> memref<1000000x32xf32, #tpu.memory_space<hbm>>
      tpu.wait_indirect_dma semaphore(%arg12 : memref<!tpu.dma_semaphore, #tpu.memory_space<semaphore_mem>>) src(%dma_wait3A_170 : memref<1000000x32xf32, #tpu.memory_space<hbm>>) dst(%dma_wait3A_164 : memref<128x32xf32, #tpu.memory_space<vmem>>)
      %dma_wait3A_171 = arith.constant 6 : i32
      %dma_wait3A_172 = arith.constant 768 : i32
      %dma_wait3A_173 = arith.constant 0 : i32
      %dma_wait3A_174 = tpu.memref_slice %arg10[%dma_wait3A_172, %dma_wait3A_173] : memref<1024x32xf32, #tpu.memory_space<vmem>> -> memref<128x32xf32, #tpu.memory_space<vmem>>
      %dma_wait3A_175 = arith.constant 0 : i32
      %dma_wait3A_176 = tpu.memref_slice %arg8[%dma_wait3A_171, %dma_wait3A_175] : memref<8x128xi32, #tpu.memory_space<vmem>> -> memref<1x128xi32, #tpu.memory_space<vmem>>
      %dma_wait3A_177 = tpu.memref_squeeze %dma_wait3A_176 : memref<1x128xi32, #tpu.memory_space<vmem>> -> memref<128xi32, #tpu.memory_space<vmem>>
      %dma_wait3A_178 = arith.constant 0 : i32
      %dma_wait3A_179 = arith.constant 0 : i32
      %dma_wait3A_180 = tpu.memref_slice %arg2[%dma_wait3A_178, %dma_wait3A_179] : memref<1000000x32xf32, #tpu.memory_space<hbm>> -> memref<1000000x32xf32, #tpu.memory_space<hbm>>
      tpu.wait_indirect_dma semaphore(%arg12 : memref<!tpu.dma_semaphore, #tpu.memory_space<semaphore_mem>>) src(%dma_wait3A_180 : memref<1000000x32xf32, #tpu.memory_space<hbm>>) dst(%dma_wait3A_174 : memref<128x32xf32, #tpu.memory_space<vmem>>)
      %dma_wait3A_181 = arith.constant 7 : i32
      %dma_wait3A_182 = arith.constant 896 : i32
      %dma_wait3A_183 = arith.constant 0 : i32
      %dma_wait3A_184 = tpu.memref_slice %arg10[%dma_wait3A_182, %dma_wait3A_183] : memref<1024x32xf32, #tpu.memory_space<vmem>> -> memref<128x32xf32, #tpu.memory_space<vmem>>
      %dma_wait3A_185 = arith.constant 0 : i32
      %dma_wait3A_186 = tpu.memref_slice %arg8[%dma_wait3A_181, %dma_wait3A_185] : memref<8x128xi32, #tpu.memory_space<vmem>> -> memref<1x128xi32, #tpu.memory_space<vmem>>
      %dma_wait3A_187 = tpu.memref_squeeze %dma_wait3A_186 : memref<1x128xi32, #tpu.memory_space<vmem>> -> memref<128xi32, #tpu.memory_space<vmem>>
      %dma_wait3A_188 = arith.constant 0 : i32
      %dma_wait3A_189 = arith.constant 0 : i32
      %dma_wait3A_190 = tpu.memref_slice %arg2[%dma_wait3A_188, %dma_wait3A_189] : memref<1000000x32xf32, #tpu.memory_space<hbm>> -> memref<1000000x32xf32, #tpu.memory_space<hbm>>
      tpu.wait_indirect_dma semaphore(%arg12 : memref<!tpu.dma_semaphore, #tpu.memory_space<semaphore_mem>>) src(%dma_wait3A_190 : memref<1000000x32xf32, #tpu.memory_space<hbm>>) dst(%dma_wait3A_184 : memref<128x32xf32, #tpu.memory_space<vmem>>)
      %barrier3A = arith.constant 0 : index
      tpu.barrier barrier_id(%barrier3A)
      %jit3A = arith.constant 4 : i32
      %div3A = arith.divsi %add3A_26, %jit3A : i32
      %sign3A = arith.constant 0 : i32
      %sign3A_191 = arith.cmpi sgt, %add3A_26, %sign3A : i32
      %sign3A_192 = arith.extui %sign3A_191 : i1 to i32
      %sign3A_193 = arith.constant 0 : i32
      %sign3A_194 = arith.cmpi slt, %add3A_26, %sign3A_193 : i32
      %sign3A_195 = arith.extui %sign3A_194 : i1 to i32
      %sign3A_196 = arith.subi %sign3A_192, %sign3A_195 : i32
      %sign3A_197 = arith.constant 0 : i32
      %sign3A_198 = arith.cmpi sgt, %jit3A, %sign3A_197 : i32
      %sign3A_199 = arith.extui %sign3A_198 : i1 to i32
      %sign3A_200 = arith.constant 0 : i32
      %sign3A_201 = arith.cmpi slt, %jit3A, %sign3A_200 : i32
      %sign3A_202 = arith.extui %sign3A_201 : i1 to i32
      %sign3A_203 = arith.subi %sign3A_199, %sign3A_202 : i32
      %ne3A = arith.cmpi ne, %sign3A_196, %sign3A_203 : i32
      %rem3A = arith.remsi %add3A_26, %jit3A : i32
      %ne3A_204 = arith.constant 0 : i32
      %ne3A_205 = arith.cmpi ne, %rem3A, %ne3A_204 : i32
      %and3A_206 = arith.andi %ne3A, %ne3A_205 : i1
      %sub3A = arith.constant 1 : i32
      %sub3A_207 = arith.subi %div3A, %sub3A : i32
      %select_n3A = arith.select %and3A_206, %sub3A_207, %div3A : i32
      "tpu.region"() ({
        %run_scoped3A = tpu.sem_alloc : memref<!tpu.dma_semaphore, #tpu.memory_space<semaphore_mem>>
        %dma_start3A_208 = arith.constant 0 : i32
        %dma_start3A_209 = tpu.memref_slice %arg7[%select_n3A, %dma_start3A_208] : memref<98304x128xf32, #tpu.memory_space<hbm>> -> memref<256x128xf32, #tpu.memory_space<hbm>>
        %dma_start3A_210 = arith.constant 0 : i32
        %dma_start3A_211 = tpu.memref_slice %arg7[%select_n3A, %dma_start3A_210] : memref<98304x128xf32, #tpu.memory_space<hbm>> -> memref<256x128xf32, #tpu.memory_space<hbm>>
        tpu.enqueue_dma source(%arg11 : memref<256x128xf32, #tpu.memory_space<vmem>>) target(%dma_start3A_211 : memref<256x128xf32, #tpu.memory_space<hbm>>) target_semaphore(%run_scoped3A : memref<!tpu.dma_semaphore, #tpu.memory_space<semaphore_mem>>)
        %dma_wait3A_212 = arith.constant 0 : i32
        %dma_wait3A_213 = tpu.memref_slice %arg7[%select_n3A, %dma_wait3A_212] : memref<98304x128xf32, #tpu.memory_space<hbm>> -> memref<256x128xf32, #tpu.memory_space<hbm>>
        %dma_wait3A_214 = arith.constant 0 : i32
        %dma_wait3A_215 = tpu.memref_slice %arg7[%select_n3A, %dma_wait3A_214] : memref<98304x128xf32, #tpu.memory_space<hbm>> -> memref<256x128xf32, #tpu.memory_space<hbm>>
        tpu.wait_dma2 semaphore(%run_scoped3A : memref<!tpu.dma_semaphore, #tpu.memory_space<semaphore_mem>>) src(%arg11 : memref<256x128xf32, #tpu.memory_space<vmem>>) dst(%dma_wait3A_215 : memref<256x128xf32, #tpu.memory_space<hbm>>)
        tpu.yield
      }) : () -> ()
      "tpu.region"() ({
        %run_scoped3A = tpu.sem_alloc : memref<!tpu.dma_semaphore, #tpu.memory_space<semaphore_mem>>
        %dma_start3A_208 = arith.constant 0 : i32
        %dma_start3A_209 = tpu.memref_slice %arg6[%add3A_26, %dma_start3A_208] : memref<393216x32xf32, #tpu.memory_space<hbm>> -> memref<1024x32xf32, #tpu.memory_space<hbm>>
        %dma_start3A_210 = arith.constant 0 : i32
        %dma_start3A_211 = tpu.memref_slice %arg6[%add3A_26, %dma_start3A_210] : memref<393216x32xf32, #tpu.memory_space<hbm>> -> memref<1024x32xf32, #tpu.memory_space<hbm>>
        tpu.enqueue_dma source(%arg10 : memref<1024x32xf32, #tpu.memory_space<vmem>>) target(%dma_start3A_211 : memref<1024x32xf32, #tpu.memory_space<hbm>>) target_semaphore(%run_scoped3A : memref<!tpu.dma_semaphore, #tpu.memory_space<semaphore_mem>>)
        %dma_wait3A_212 = arith.constant 0 : i32
        %dma_wait3A_213 = tpu.memref_slice %arg6[%add3A_26, %dma_wait3A_212] : memref<393216x32xf32, #tpu.memory_space<hbm>> -> memref<1024x32xf32, #tpu.memory_space<hbm>>
        %dma_wait3A_214 = arith.constant 0 : i32
        %dma_wait3A_215 = tpu.memref_slice %arg6[%add3A_26, %dma_wait3A_214] : memref<393216x32xf32, #tpu.memory_space<hbm>> -> memref<1024x32xf32, #tpu.memory_space<hbm>>
        tpu.wait_dma2 semaphore(%run_scoped3A : memref<!tpu.dma_semaphore, #tpu.memory_space<semaphore_mem>>) src(%arg10 : memref<1024x32xf32, #tpu.memory_space<vmem>>) dst(%dma_wait3A_215 : memref<1024x32xf32, #tpu.memory_space<hbm>>)
        tpu.yield
      }) : () -> ()
    }
    %scan3A_19 = arith.constant 12 : i32
    return
  }
}

#map = affine_map<(d0, d1) -> (0, 0)>
module attributes {stable_mosaic.version = 14 : i64} {
  func.func @gather_kernel(%arg0: i32, %arg1: i32, %arg2: memref<1000000x32xf32, #tpu.memory_space<hbm>>, %arg3: memref<3328x128xi32, #tpu.memory_space<hbm>>, %arg4: memref<3328x128xf32, #tpu.memory_space<hbm>>, %arg5: memref<256x128xf32, #tpu.memory_space<hbm>>, %arg6: memref<425984x32xf32, #tpu.memory_space<hbm>>, %arg7: memref<106496x128xf32, #tpu.memory_space<hbm>>, %arg8: memref<8x128xi32, #tpu.memory_space<vmem>>, %arg9: memref<8x128xf32, #tpu.memory_space<vmem>>, %arg10: memref<1024x32xf32, #tpu.memory_space<vmem>>, %arg11: memref<256x128xf32, #tpu.memory_space<vmem>>, %arg12: memref<!tpu.dma_semaphore, #tpu.memory_space<semaphore_mem>>) attributes {dimension_semantics = [#tpu.dimension_semantics<core_parallel>, #tpu.dimension_semantics<subcore_parallel>], iteration_bounds = array<i64: 2, 16>, scalar_prefetch = 0 : i64, scratch_operands = 5 : i64, tpu.core_type = #tpu.core_type<sc_vector_subcore>, window_params = [{transform_indices = #map}, {transform_indices = #map}, {transform_indices = #map}, {transform_indices = #map}, {transform_indices = #map}, {transform_indices = #map}]} {
    %mul3A = arith.constant 2 : i32
    %mul3A_0 = arith.muli %arg1, %mul3A : i32
    %add3A = arith.addi %mul3A_0, %arg0 : i32
    %mul3A_1 = arith.constant 104 : i32
    %mul3A_2 = arith.muli %add3A, %mul3A_1 : i32
    %mul3A_3 = arith.constant 13312 : i32
    %mul3A_4 = arith.muli %add3A, %mul3A_3 : i32
    "tpu.region"() ({
      %run_scoped3A = tpu.sem_alloc : memref<!tpu.dma_semaphore, #tpu.memory_space<semaphore_mem>>
      tpu.enqueue_dma source(%arg5 : memref<256x128xf32, #tpu.memory_space<hbm>>) target(%arg11 : memref<256x128xf32, #tpu.memory_space<vmem>>) target_semaphore(%run_scoped3A : memref<!tpu.dma_semaphore, #tpu.memory_space<semaphore_mem>>)
      tpu.wait_dma2 semaphore(%run_scoped3A : memref<!tpu.dma_semaphore, #tpu.memory_space<semaphore_mem>>) src(%arg5 : memref<256x128xf32, #tpu.memory_space<hbm>>) dst(%arg11 : memref<256x128xf32, #tpu.memory_space<vmem>>)
      tpu.yield
    }) : () -> ()
    %iota3A = tpu.iota {dimensions = array<i32: 0>} : vector<16xi32>
    %shift_right_logical3A = arith.constant 2 : i32
    %shift_right_logical3A_5 = vector.broadcast %shift_right_logical3A : i32 to vector<16xi32>
    %shift_right_logical3A_6 = arith.shrui %iota3A, %shift_right_logical3A_5 : vector<16xi32>
    %and3A = arith.constant 3 : i32
    %and3A_7 = vector.broadcast %and3A : i32 to vector<16xi32>
    %and3A_8 = arith.andi %iota3A, %and3A_7 : vector<16xi32>
    %shift_left3A = arith.constant 5 : i32
    %shift_left3A_9 = vector.broadcast %shift_left3A : i32 to vector<16xi32>
    %shift_left3A_10 = arith.shli %and3A_8, %shift_left3A_9 : vector<16xi32>
    %add3A_11 = arith.constant 1 : i32
    %add3A_12 = vector.broadcast %add3A_11 : i32 to vector<16xi32>
    %add3A_13 = arith.addi %shift_left3A_10, %add3A_12 : vector<16xi32>
    %broadcast_in_dim3A = arith.constant 1.000000e+00 : f32
    %broadcast_in_dim3A_14 = vector.broadcast %broadcast_in_dim3A : f32 to vector<16xf32>
    %scan3A = arith.constant 0 : i32
    %scan3A_15 = arith.constant 0 : i32
    %scan3A_16 = arith.constant 13 : i32
    %scan3A_17 = arith.addi %scan3A_15, %scan3A_16 : i32
    %scan3A_18 = arith.constant 1 : i32
    scf.for %scan3A_20 = %scan3A_15 to %scan3A_17 step %scan3A_18  : i32 {
      %mul3A_21 = arith.constant 8 : i32
      %mul3A_22 = arith.muli %scan3A_20, %mul3A_21 : i32
      %add3A_23 = arith.addi %mul3A_2, %mul3A_22 : i32
      %mul3A_24 = arith.constant 1024 : i32
      %mul3A_25 = arith.muli %scan3A_20, %mul3A_24 : i32
      %add3A_26 = arith.addi %mul3A_4, %mul3A_25 : i32
      "tpu.region"() ({
        %run_scoped3A = tpu.sem_alloc : memref<!tpu.dma_semaphore, #tpu.memory_space<semaphore_mem>>
        %dma_start3A_208 = arith.constant 0 : i32
        %dma_start3A_209 = tpu.memref_slice %arg3[%add3A_23, %dma_start3A_208] : memref<3328x128xi32, #tpu.memory_space<hbm>> -> memref<8x128xi32, #tpu.memory_space<hbm>>
        %dma_start3A_210 = arith.constant 0 : i32
        %dma_start3A_211 = tpu.memref_slice %arg3[%add3A_23, %dma_start3A_210] : memref<3328x128xi32, #tpu.memory_space<hbm>> -> memref<8x128xi32, #tpu.memory_space<hbm>>
        tpu.enqueue_dma source(%dma_start3A_211 : memref<8x128xi32, #tpu.memory_space<hbm>>) target(%arg8 : memref<8x128xi32, #tpu.memory_space<vmem>>) target_semaphore(%run_scoped3A : memref<!tpu.dma_semaphore, #tpu.memory_space<semaphore_mem>>)
        %dma_wait3A_212 = arith.constant 0 : i32
        %dma_wait3A_213 = tpu.memref_slice %arg3[%add3A_23, %dma_wait3A_212] : memref<3328x128xi32, #tpu.memory_space<hbm>> -> memref<8x128xi32, #tpu.memory_space<hbm>>
        %dma_wait3A_214 = arith.constant 0 : i32
        %dma_wait3A_215 = tpu.memref_slice %arg3[%add3A_23, %dma_wait3A_214] : memref<3328x128xi32, #tpu.memory_space<hbm>> -> memref<8x128xi32, #tpu.memory_space<hbm>>
        tpu.wait_dma2 semaphore(%run_scoped3A : memref<!tpu.dma_semaphore, #tpu.memory_space<semaphore_mem>>) src(%dma_wait3A_215 : memref<8x128xi32, #tpu.memory_space<hbm>>) dst(%arg8 : memref<8x128xi32, #tpu.memory_space<vmem>>)
        tpu.yield
      }) : () -> ()
      %dma_start3A = arith.constant 0 : i32
      %dma_start3A_27 = arith.constant 0 : i32
      %dma_start3A_28 = arith.constant 0 : i32
      %dma_start3A_29 = tpu.memref_slice %arg10[%dma_start3A_27, %dma_start3A_28] : memref<1024x32xf32, #tpu.memory_space<vmem>> -> memref<128x32xf32, #tpu.memory_space<vmem>>
      %dma_start3A_30 = arith.constant 0 : i32
      %dma_start3A_31 = tpu.memref_slice %arg8[%dma_start3A, %dma_start3A_30] : memref<8x128xi32, #tpu.memory_space<vmem>> -> memref<1x128xi32, #tpu.memory_space<vmem>>
      %dma_start3A_32 = tpu.memref_squeeze %dma_start3A_31 : memref<1x128xi32, #tpu.memory_space<vmem>> -> memref<128xi32, #tpu.memory_space<vmem>>
      %dma_start3A_33 = arith.constant 0 : i32
      %dma_start3A_34 = arith.constant 0 : i32
      %dma_start3A_35 = tpu.memref_slice %arg2[%dma_start3A_33, %dma_start3A_34] : memref<1000000x32xf32, #tpu.memory_space<hbm>> -> memref<1000000x32xf32, #tpu.memory_space<hbm>>
      tpu.enqueue_indirect_dma source(%dma_start3A_35 : memref<1000000x32xf32, #tpu.memory_space<hbm>>) target(%dma_start3A_29 : memref<128x32xf32, #tpu.memory_space<vmem>>) offsets(%dma_start3A_32 : memref<128xi32, #tpu.memory_space<vmem>>) semaphore(%arg12 : memref<!tpu.dma_semaphore, #tpu.memory_space<semaphore_mem>>)
      %dma_start3A_36 = arith.constant 1 : i32
      %dma_start3A_37 = arith.constant 128 : i32
      %dma_start3A_38 = arith.constant 0 : i32
      %dma_start3A_39 = tpu.memref_slice %arg10[%dma_start3A_37, %dma_start3A_38] : memref<1024x32xf32, #tpu.memory_space<vmem>> -> memref<128x32xf32, #tpu.memory_space<vmem>>
      %dma_start3A_40 = arith.constant 0 : i32
      %dma_start3A_41 = tpu.memref_slice %arg8[%dma_start3A_36, %dma_start3A_40] : memref<8x128xi32, #tpu.memory_space<vmem>> -> memref<1x128xi32, #tpu.memory_space<vmem>>
      %dma_start3A_42 = tpu.memref_squeeze %dma_start3A_41 : memref<1x128xi32, #tpu.memory_space<vmem>> -> memref<128xi32, #tpu.memory_space<vmem>>
      %dma_start3A_43 = arith.constant 0 : i32
      %dma_start3A_44 = arith.constant 0 : i32
      %dma_start3A_45 = tpu.memref_slice %arg2[%dma_start3A_43, %dma_start3A_44] : memref<1000000x32xf32, #tpu.memory_space<hbm>> -> memref<1000000x32xf32, #tpu.memory_space<hbm>>
      tpu.enqueue_indirect_dma source(%dma_start3A_45 : memref<1000000x32xf32, #tpu.memory_space<hbm>>) target(%dma_start3A_39 : memref<128x32xf32, #tpu.memory_space<vmem>>) offsets(%dma_start3A_42 : memref<128xi32, #tpu.memory_space<vmem>>) semaphore(%arg12 : memref<!tpu.dma_semaphore, #tpu.memory_space<semaphore_mem>>)
      %dma_start3A_46 = arith.constant 2 : i32
      %dma_start3A_47 = arith.constant 256 : i32
      %dma_start3A_48 = arith.constant 0 : i32
      %dma_start3A_49 = tpu.memref_slice %arg10[%dma_start3A_47, %dma_start3A_48] : memref<1024x32xf32, #tpu.memory_space<vmem>> -> memref<128x32xf32, #tpu.memory_space<vmem>>
      %dma_start3A_50 = arith.constant 0 : i32
      %dma_start3A_51 = tpu.memref_slice %arg8[%dma_start3A_46, %dma_start3A_50] : memref<8x128xi32, #tpu.memory_space<vmem>> -> memref<1x128xi32, #tpu.memory_space<vmem>>
      %dma_start3A_52 = tpu.memref_squeeze %dma_start3A_51 : memref<1x128xi32, #tpu.memory_space<vmem>> -> memref<128xi32, #tpu.memory_space<vmem>>
      %dma_start3A_53 = arith.constant 0 : i32
      %dma_start3A_54 = arith.constant 0 : i32
      %dma_start3A_55 = tpu.memref_slice %arg2[%dma_start3A_53, %dma_start3A_54] : memref<1000000x32xf32, #tpu.memory_space<hbm>> -> memref<1000000x32xf32, #tpu.memory_space<hbm>>
      tpu.enqueue_indirect_dma source(%dma_start3A_55 : memref<1000000x32xf32, #tpu.memory_space<hbm>>) target(%dma_start3A_49 : memref<128x32xf32, #tpu.memory_space<vmem>>) offsets(%dma_start3A_52 : memref<128xi32, #tpu.memory_space<vmem>>) semaphore(%arg12 : memref<!tpu.dma_semaphore, #tpu.memory_space<semaphore_mem>>)
      %dma_start3A_56 = arith.constant 3 : i32
      %dma_start3A_57 = arith.constant 384 : i32
      %dma_start3A_58 = arith.constant 0 : i32
      %dma_start3A_59 = tpu.memref_slice %arg10[%dma_start3A_57, %dma_start3A_58] : memref<1024x32xf32, #tpu.memory_space<vmem>> -> memref<128x32xf32, #tpu.memory_space<vmem>>
      %dma_start3A_60 = arith.constant 0 : i32
      %dma_start3A_61 = tpu.memref_slice %arg8[%dma_start3A_56, %dma_start3A_60] : memref<8x128xi32, #tpu.memory_space<vmem>> -> memref<1x128xi32, #tpu.memory_space<vmem>>
      %dma_start3A_62 = tpu.memref_squeeze %dma_start3A_61 : memref<1x128xi32, #tpu.memory_space<vmem>> -> memref<128xi32, #tpu.memory_space<vmem>>
      %dma_start3A_63 = arith.constant 0 : i32
      %dma_start3A_64 = arith.constant 0 : i32
      %dma_start3A_65 = tpu.memref_slice %arg2[%dma_start3A_63, %dma_start3A_64] : memref<1000000x32xf32, #tpu.memory_space<hbm>> -> memref<1000000x32xf32, #tpu.memory_space<hbm>>
      tpu.enqueue_indirect_dma source(%dma_start3A_65 : memref<1000000x32xf32, #tpu.memory_space<hbm>>) target(%dma_start3A_59 : memref<128x32xf32, #tpu.memory_space<vmem>>) offsets(%dma_start3A_62 : memref<128xi32, #tpu.memory_space<vmem>>) semaphore(%arg12 : memref<!tpu.dma_semaphore, #tpu.memory_space<semaphore_mem>>)
      %dma_start3A_66 = arith.constant 4 : i32
      %dma_start3A_67 = arith.constant 512 : i32
      %dma_start3A_68 = arith.constant 0 : i32
      %dma_start3A_69 = tpu.memref_slice %arg10[%dma_start3A_67, %dma_start3A_68] : memref<1024x32xf32, #tpu.memory_space<vmem>> -> memref<128x32xf32, #tpu.memory_space<vmem>>
      %dma_start3A_70 = arith.constant 0 : i32
      %dma_start3A_71 = tpu.memref_slice %arg8[%dma_start3A_66, %dma_start3A_70] : memref<8x128xi32, #tpu.memory_space<vmem>> -> memref<1x128xi32, #tpu.memory_space<vmem>>
      %dma_start3A_72 = tpu.memref_squeeze %dma_start3A_71 : memref<1x128xi32, #tpu.memory_space<vmem>> -> memref<128xi32, #tpu.memory_space<vmem>>
      %dma_start3A_73 = arith.constant 0 : i32
      %dma_start3A_74 = arith.constant 0 : i32
      %dma_start3A_75 = tpu.memref_slice %arg2[%dma_start3A_73, %dma_start3A_74] : memref<1000000x32xf32, #tpu.memory_space<hbm>> -> memref<1000000x32xf32, #tpu.memory_space<hbm>>
      tpu.enqueue_indirect_dma source(%dma_start3A_75 : memref<1000000x32xf32, #tpu.memory_space<hbm>>) target(%dma_start3A_69 : memref<128x32xf32, #tpu.memory_space<vmem>>) offsets(%dma_start3A_72 : memref<128xi32, #tpu.memory_space<vmem>>) semaphore(%arg12 : memref<!tpu.dma_semaphore, #tpu.memory_space<semaphore_mem>>)
      %dma_start3A_76 = arith.constant 5 : i32
      %dma_start3A_77 = arith.constant 640 : i32
      %dma_start3A_78 = arith.constant 0 : i32
      %dma_start3A_79 = tpu.memref_slice %arg10[%dma_start3A_77, %dma_start3A_78] : memref<1024x32xf32, #tpu.memory_space<vmem>> -> memref<128x32xf32, #tpu.memory_space<vmem>>
      %dma_start3A_80 = arith.constant 0 : i32
      %dma_start3A_81 = tpu.memref_slice %arg8[%dma_start3A_76, %dma_start3A_80] : memref<8x128xi32, #tpu.memory_space<vmem>> -> memref<1x128xi32, #tpu.memory_space<vmem>>
      %dma_start3A_82 = tpu.memref_squeeze %dma_start3A_81 : memref<1x128xi32, #tpu.memory_space<vmem>> -> memref<128xi32, #tpu.memory_space<vmem>>
      %dma_start3A_83 = arith.constant 0 : i32
      %dma_start3A_84 = arith.constant 0 : i32
      %dma_start3A_85 = tpu.memref_slice %arg2[%dma_start3A_83, %dma_start3A_84] : memref<1000000x32xf32, #tpu.memory_space<hbm>> -> memref<1000000x32xf32, #tpu.memory_space<hbm>>
      tpu.enqueue_indirect_dma source(%dma_start3A_85 : memref<1000000x32xf32, #tpu.memory_space<hbm>>) target(%dma_start3A_79 : memref<128x32xf32, #tpu.memory_space<vmem>>) offsets(%dma_start3A_82 : memref<128xi32, #tpu.memory_space<vmem>>) semaphore(%arg12 : memref<!tpu.dma_semaphore, #tpu.memory_space<semaphore_mem>>)
      %dma_start3A_86 = arith.constant 6 : i32
      %dma_start3A_87 = arith.constant 768 : i32
      %dma_start3A_88 = arith.constant 0 : i32
      %dma_start3A_89 = tpu.memref_slice %arg10[%dma_start3A_87, %dma_start3A_88] : memref<1024x32xf32, #tpu.memory_space<vmem>> -> memref<128x32xf32, #tpu.memory_space<vmem>>
      %dma_start3A_90 = arith.constant 0 : i32
      %dma_start3A_91 = tpu.memref_slice %arg8[%dma_start3A_86, %dma_start3A_90] : memref<8x128xi32, #tpu.memory_space<vmem>> -> memref<1x128xi32, #tpu.memory_space<vmem>>
      %dma_start3A_92 = tpu.memref_squeeze %dma_start3A_91 : memref<1x128xi32, #tpu.memory_space<vmem>> -> memref<128xi32, #tpu.memory_space<vmem>>
      %dma_start3A_93 = arith.constant 0 : i32
      %dma_start3A_94 = arith.constant 0 : i32
      %dma_start3A_95 = tpu.memref_slice %arg2[%dma_start3A_93, %dma_start3A_94] : memref<1000000x32xf32, #tpu.memory_space<hbm>> -> memref<1000000x32xf32, #tpu.memory_space<hbm>>
      tpu.enqueue_indirect_dma source(%dma_start3A_95 : memref<1000000x32xf32, #tpu.memory_space<hbm>>) target(%dma_start3A_89 : memref<128x32xf32, #tpu.memory_space<vmem>>) offsets(%dma_start3A_92 : memref<128xi32, #tpu.memory_space<vmem>>) semaphore(%arg12 : memref<!tpu.dma_semaphore, #tpu.memory_space<semaphore_mem>>)
      %dma_start3A_96 = arith.constant 7 : i32
      %dma_start3A_97 = arith.constant 896 : i32
      %dma_start3A_98 = arith.constant 0 : i32
      %dma_start3A_99 = tpu.memref_slice %arg10[%dma_start3A_97, %dma_start3A_98] : memref<1024x32xf32, #tpu.memory_space<vmem>> -> memref<128x32xf32, #tpu.memory_space<vmem>>
      %dma_start3A_100 = arith.constant 0 : i32
      %dma_start3A_101 = tpu.memref_slice %arg8[%dma_start3A_96, %dma_start3A_100] : memref<8x128xi32, #tpu.memory_space<vmem>> -> memref<1x128xi32, #tpu.memory_space<vmem>>
      %dma_start3A_102 = tpu.memref_squeeze %dma_start3A_101 : memref<1x128xi32, #tpu.memory_space<vmem>> -> memref<128xi32, #tpu.memory_space<vmem>>
      %dma_start3A_103 = arith.constant 0 : i32
      %dma_start3A_104 = arith.constant 0 : i32
      %dma_start3A_105 = tpu.memref_slice %arg2[%dma_start3A_103, %dma_start3A_104] : memref<1000000x32xf32, #tpu.memory_space<hbm>> -> memref<1000000x32xf32, #tpu.memory_space<hbm>>
      tpu.enqueue_indirect_dma source(%dma_start3A_105 : memref<1000000x32xf32, #tpu.memory_space<hbm>>) target(%dma_start3A_99 : memref<128x32xf32, #tpu.memory_space<vmem>>) offsets(%dma_start3A_102 : memref<128xi32, #tpu.memory_space<vmem>>) semaphore(%arg12 : memref<!tpu.dma_semaphore, #tpu.memory_space<semaphore_mem>>)
      "tpu.region"() ({
        %run_scoped3A = tpu.sem_alloc : memref<!tpu.dma_semaphore, #tpu.memory_space<semaphore_mem>>
        %dma_start3A_208 = arith.constant 0 : i32
        %dma_start3A_209 = tpu.memref_slice %arg4[%add3A_23, %dma_start3A_208] : memref<3328x128xf32, #tpu.memory_space<hbm>> -> memref<8x128xf32, #tpu.memory_space<hbm>>
        %dma_start3A_210 = arith.constant 0 : i32
        %dma_start3A_211 = tpu.memref_slice %arg4[%add3A_23, %dma_start3A_210] : memref<3328x128xf32, #tpu.memory_space<hbm>> -> memref<8x128xf32, #tpu.memory_space<hbm>>
        tpu.enqueue_dma source(%dma_start3A_211 : memref<8x128xf32, #tpu.memory_space<hbm>>) target(%arg9 : memref<8x128xf32, #tpu.memory_space<vmem>>) target_semaphore(%run_scoped3A : memref<!tpu.dma_semaphore, #tpu.memory_space<semaphore_mem>>)
        %dma_wait3A_212 = arith.constant 0 : i32
        %dma_wait3A_213 = tpu.memref_slice %arg4[%add3A_23, %dma_wait3A_212] : memref<3328x128xf32, #tpu.memory_space<hbm>> -> memref<8x128xf32, #tpu.memory_space<hbm>>
        %dma_wait3A_214 = arith.constant 0 : i32
        %dma_wait3A_215 = tpu.memref_slice %arg4[%add3A_23, %dma_wait3A_214] : memref<3328x128xf32, #tpu.memory_space<hbm>> -> memref<8x128xf32, #tpu.memory_space<hbm>>
        tpu.wait_dma2 semaphore(%run_scoped3A : memref<!tpu.dma_semaphore, #tpu.memory_space<semaphore_mem>>) src(%dma_wait3A_215 : memref<8x128xf32, #tpu.memory_space<hbm>>) dst(%arg9 : memref<8x128xf32, #tpu.memory_space<vmem>>)
        tpu.yield
      }) : () -> ()
      %scan3A_106 = arith.constant 0 : i32
      %scan3A_107 = arith.constant 0 : i32
      %scan3A_108 = arith.constant 64 : i32
      %scan3A_109 = arith.addi %scan3A_107, %scan3A_108 : i32
      %scan3A_110 = arith.constant 1 : i32
      scf.for %scan3A_208 = %scan3A_107 to %scan3A_109 step %scan3A_110  : i32 {
        %jit3A_209 = arith.constant 8 : i32
        %div3A_210 = arith.divsi %scan3A_208, %jit3A_209 : i32
        %sign3A_211 = arith.constant 0 : i32
        %sign3A_212 = arith.cmpi sgt, %scan3A_208, %sign3A_211 : i32
        %sign3A_213 = arith.extui %sign3A_212 : i1 to i32
        %sign3A_214 = arith.constant 0 : i32
        %sign3A_215 = arith.cmpi slt, %scan3A_208, %sign3A_214 : i32
        %sign3A_216 = arith.extui %sign3A_215 : i1 to i32
        %sign3A_217 = arith.subi %sign3A_213, %sign3A_216 : i32
        %sign3A_218 = arith.constant 0 : i32
        %sign3A_219 = arith.cmpi sgt, %jit3A_209, %sign3A_218 : i32
        %sign3A_220 = arith.extui %sign3A_219 : i1 to i32
        %sign3A_221 = arith.constant 0 : i32
        %sign3A_222 = arith.cmpi slt, %jit3A_209, %sign3A_221 : i32
        %sign3A_223 = arith.extui %sign3A_222 : i1 to i32
        %sign3A_224 = arith.subi %sign3A_220, %sign3A_223 : i32
        %ne3A_225 = arith.cmpi ne, %sign3A_217, %sign3A_224 : i32
        %rem3A_226 = arith.remsi %scan3A_208, %jit3A_209 : i32
        %ne3A_227 = arith.constant 0 : i32
        %ne3A_228 = arith.cmpi ne, %rem3A_226, %ne3A_227 : i32
        %and3A_229 = arith.andi %ne3A_225, %ne3A_228 : i1
        %sub3A_230 = arith.constant 1 : i32
        %sub3A_231 = arith.subi %div3A_210, %sub3A_230 : i32
        %select_n3A_232 = arith.select %and3A_229, %sub3A_231, %div3A_210 : i32
        %jit3A_233 = arith.constant 8 : i32
        %eq3A = arith.constant 0 : i32
        %eq3A_234 = arith.cmpi eq, %jit3A_233, %eq3A : i32
        %jit3A_235 = arith.constant 1 : i32
        %select_n3A_236 = arith.select %eq3A_234, %jit3A_235, %jit3A_233 : i32
        %rem3A_237 = arith.remsi %scan3A_208, %select_n3A_236 : i32
        %ne3A_238 = arith.constant 0 : i32
        %ne3A_239 = arith.cmpi ne, %rem3A_237, %ne3A_238 : i32
        %lt3A = arith.constant 0 : i32
        %lt3A_240 = arith.cmpi slt, %rem3A_237, %lt3A : i32
        %lt3A_241 = arith.constant 0 : i32
        %lt3A_242 = arith.cmpi slt, %select_n3A_236, %lt3A_241 : i32
        %ne3A_243 = arith.xori %lt3A_240, %lt3A_242 : i1
        %and3A_244 = arith.andi %ne3A_243, %ne3A_239 : i1
        %add3A_245 = arith.addi %rem3A_237, %select_n3A_236 : i32
        %select_n3A_246 = arith.select %and3A_244, %add3A_245, %rem3A_237 : i32
        %mul3A_247 = arith.constant 16 : i32
        %mul3A_248 = arith.muli %select_n3A_246, %mul3A_247 : i32
        %get3A = arith.index_cast %select_n3A_232 : i32 to index
        %get3A_249 = arith.index_cast %mul3A_248 : i32 to index
        %get3A_250 = tpu.vector_load %arg9[%get3A, %get3A_249] {strides = array<i32>} : memref<8x128xf32, #tpu.memory_space<vmem>>, vector<16xf32>,
        %mul3A_251 = arith.constant 4 : i32
        %mul3A_252 = arith.muli %scan3A_208, %mul3A_251 : i32
        %add3A_253 = vector.broadcast %mul3A_252 : i32 to vector<16xi32>
        %add3A_254 = arith.addi %shift_right_logical3A_6, %add3A_253 : vector<16xi32>
        tpu.vector_store_idx %arg11[%add3A_254, %shift_left3A_10], %get3A_250 : memref<256x128xf32, #tpu.memory_space<vmem>>[vector<16xi32>, vector<16xi32>], vector<16xf32>,
        tpu.vector_store_idx %arg11[%add3A_254, %add3A_13], %broadcast_in_dim3A_14 : memref<256x128xf32, #tpu.memory_space<vmem>>[vector<16xi32>, vector<16xi32>], vector<16xf32>,
      }
      %scan3A_111 = arith.constant 64 : i32
      %dma_wait3A = arith.constant 0 : i32
      %dma_wait3A_112 = arith.constant 0 : i32
      %dma_wait3A_113 = arith.constant 0 : i32
      %dma_wait3A_114 = tpu.memref_slice %arg10[%dma_wait3A_112, %dma_wait3A_113] : memref<1024x32xf32, #tpu.memory_space<vmem>> -> memref<128x32xf32, #tpu.memory_space<vmem>>
      %dma_wait3A_115 = arith.constant 0 : i32
      %dma_wait3A_116 = tpu.memref_slice %arg8[%dma_wait3A, %dma_wait3A_115] : memref<8x128xi32, #tpu.memory_space<vmem>> -> memref<1x128xi32, #tpu.memory_space<vmem>>
      %dma_wait3A_117 = tpu.memref_squeeze %dma_wait3A_116 : memref<1x128xi32, #tpu.memory_space<vmem>> -> memref<128xi32, #tpu.memory_space<vmem>>
      %dma_wait3A_118 = arith.constant 0 : i32
      %dma_wait3A_119 = arith.constant 0 : i32
      %dma_wait3A_120 = tpu.memref_slice %arg2[%dma_wait3A_118, %dma_wait3A_119] : memref<1000000x32xf32, #tpu.memory_space<hbm>> -> memref<1000000x32xf32, #tpu.memory_space<hbm>>
      tpu.wait_indirect_dma semaphore(%arg12 : memref<!tpu.dma_semaphore, #tpu.memory_space<semaphore_mem>>) src(%dma_wait3A_120 : memref<1000000x32xf32, #tpu.memory_space<hbm>>) dst(%dma_wait3A_114 : memref<128x32xf32, #tpu.memory_space<vmem>>)
      %dma_wait3A_121 = arith.constant 1 : i32
      %dma_wait3A_122 = arith.constant 128 : i32
      %dma_wait3A_123 = arith.constant 0 : i32
      %dma_wait3A_124 = tpu.memref_slice %arg10[%dma_wait3A_122, %dma_wait3A_123] : memref<1024x32xf32, #tpu.memory_space<vmem>> -> memref<128x32xf32, #tpu.memory_space<vmem>>
      %dma_wait3A_125 = arith.constant 0 : i32
      %dma_wait3A_126 = tpu.memref_slice %arg8[%dma_wait3A_121, %dma_wait3A_125] : memref<8x128xi32, #tpu.memory_space<vmem>> -> memref<1x128xi32, #tpu.memory_space<vmem>>
      %dma_wait3A_127 = tpu.memref_squeeze %dma_wait3A_126 : memref<1x128xi32, #tpu.memory_space<vmem>> -> memref<128xi32, #tpu.memory_space<vmem>>
      %dma_wait3A_128 = arith.constant 0 : i32
      %dma_wait3A_129 = arith.constant 0 : i32
      %dma_wait3A_130 = tpu.memref_slice %arg2[%dma_wait3A_128, %dma_wait3A_129] : memref<1000000x32xf32, #tpu.memory_space<hbm>> -> memref<1000000x32xf32, #tpu.memory_space<hbm>>
      tpu.wait_indirect_dma semaphore(%arg12 : memref<!tpu.dma_semaphore, #tpu.memory_space<semaphore_mem>>) src(%dma_wait3A_130 : memref<1000000x32xf32, #tpu.memory_space<hbm>>) dst(%dma_wait3A_124 : memref<128x32xf32, #tpu.memory_space<vmem>>)
      %dma_wait3A_131 = arith.constant 2 : i32
      %dma_wait3A_132 = arith.constant 256 : i32
      %dma_wait3A_133 = arith.constant 0 : i32
      %dma_wait3A_134 = tpu.memref_slice %arg10[%dma_wait3A_132, %dma_wait3A_133] : memref<1024x32xf32, #tpu.memory_space<vmem>> -> memref<128x32xf32, #tpu.memory_space<vmem>>
      %dma_wait3A_135 = arith.constant 0 : i32
      %dma_wait3A_136 = tpu.memref_slice %arg8[%dma_wait3A_131, %dma_wait3A_135] : memref<8x128xi32, #tpu.memory_space<vmem>> -> memref<1x128xi32, #tpu.memory_space<vmem>>
      %dma_wait3A_137 = tpu.memref_squeeze %dma_wait3A_136 : memref<1x128xi32, #tpu.memory_space<vmem>> -> memref<128xi32, #tpu.memory_space<vmem>>
      %dma_wait3A_138 = arith.constant 0 : i32
      %dma_wait3A_139 = arith.constant 0 : i32
      %dma_wait3A_140 = tpu.memref_slice %arg2[%dma_wait3A_138, %dma_wait3A_139] : memref<1000000x32xf32, #tpu.memory_space<hbm>> -> memref<1000000x32xf32, #tpu.memory_space<hbm>>
      tpu.wait_indirect_dma semaphore(%arg12 : memref<!tpu.dma_semaphore, #tpu.memory_space<semaphore_mem>>) src(%dma_wait3A_140 : memref<1000000x32xf32, #tpu.memory_space<hbm>>) dst(%dma_wait3A_134 : memref<128x32xf32, #tpu.memory_space<vmem>>)
      %dma_wait3A_141 = arith.constant 3 : i32
      %dma_wait3A_142 = arith.constant 384 : i32
      %dma_wait3A_143 = arith.constant 0 : i32
      %dma_wait3A_144 = tpu.memref_slice %arg10[%dma_wait3A_142, %dma_wait3A_143] : memref<1024x32xf32, #tpu.memory_space<vmem>> -> memref<128x32xf32, #tpu.memory_space<vmem>>
      %dma_wait3A_145 = arith.constant 0 : i32
      %dma_wait3A_146 = tpu.memref_slice %arg8[%dma_wait3A_141, %dma_wait3A_145] : memref<8x128xi32, #tpu.memory_space<vmem>> -> memref<1x128xi32, #tpu.memory_space<vmem>>
      %dma_wait3A_147 = tpu.memref_squeeze %dma_wait3A_146 : memref<1x128xi32, #tpu.memory_space<vmem>> -> memref<128xi32, #tpu.memory_space<vmem>>
      %dma_wait3A_148 = arith.constant 0 : i32
      %dma_wait3A_149 = arith.constant 0 : i32
      %dma_wait3A_150 = tpu.memref_slice %arg2[%dma_wait3A_148, %dma_wait3A_149] : memref<1000000x32xf32, #tpu.memory_space<hbm>> -> memref<1000000x32xf32, #tpu.memory_space<hbm>>
      tpu.wait_indirect_dma semaphore(%arg12 : memref<!tpu.dma_semaphore, #tpu.memory_space<semaphore_mem>>) src(%dma_wait3A_150 : memref<1000000x32xf32, #tpu.memory_space<hbm>>) dst(%dma_wait3A_144 : memref<128x32xf32, #tpu.memory_space<vmem>>)
      %dma_wait3A_151 = arith.constant 4 : i32
      %dma_wait3A_152 = arith.constant 512 : i32
      %dma_wait3A_153 = arith.constant 0 : i32
      %dma_wait3A_154 = tpu.memref_slice %arg10[%dma_wait3A_152, %dma_wait3A_153] : memref<1024x32xf32, #tpu.memory_space<vmem>> -> memref<128x32xf32, #tpu.memory_space<vmem>>
      %dma_wait3A_155 = arith.constant 0 : i32
      %dma_wait3A_156 = tpu.memref_slice %arg8[%dma_wait3A_151, %dma_wait3A_155] : memref<8x128xi32, #tpu.memory_space<vmem>> -> memref<1x128xi32, #tpu.memory_space<vmem>>
      %dma_wait3A_157 = tpu.memref_squeeze %dma_wait3A_156 : memref<1x128xi32, #tpu.memory_space<vmem>> -> memref<128xi32, #tpu.memory_space<vmem>>
      %dma_wait3A_158 = arith.constant 0 : i32
      %dma_wait3A_159 = arith.constant 0 : i32
      %dma_wait3A_160 = tpu.memref_slice %arg2[%dma_wait3A_158, %dma_wait3A_159] : memref<1000000x32xf32, #tpu.memory_space<hbm>> -> memref<1000000x32xf32, #tpu.memory_space<hbm>>
      tpu.wait_indirect_dma semaphore(%arg12 : memref<!tpu.dma_semaphore, #tpu.memory_space<semaphore_mem>>) src(%dma_wait3A_160 : memref<1000000x32xf32, #tpu.memory_space<hbm>>) dst(%dma_wait3A_154 : memref<128x32xf32, #tpu.memory_space<vmem>>)
      %dma_wait3A_161 = arith.constant 5 : i32
      %dma_wait3A_162 = arith.constant 640 : i32
      %dma_wait3A_163 = arith.constant 0 : i32
      %dma_wait3A_164 = tpu.memref_slice %arg10[%dma_wait3A_162, %dma_wait3A_163] : memref<1024x32xf32, #tpu.memory_space<vmem>> -> memref<128x32xf32, #tpu.memory_space<vmem>>
      %dma_wait3A_165 = arith.constant 0 : i32
      %dma_wait3A_166 = tpu.memref_slice %arg8[%dma_wait3A_161, %dma_wait3A_165] : memref<8x128xi32, #tpu.memory_space<vmem>> -> memref<1x128xi32, #tpu.memory_space<vmem>>
      %dma_wait3A_167 = tpu.memref_squeeze %dma_wait3A_166 : memref<1x128xi32, #tpu.memory_space<vmem>> -> memref<128xi32, #tpu.memory_space<vmem>>
      %dma_wait3A_168 = arith.constant 0 : i32
      %dma_wait3A_169 = arith.constant 0 : i32
      %dma_wait3A_170 = tpu.memref_slice %arg2[%dma_wait3A_168, %dma_wait3A_169] : memref<1000000x32xf32, #tpu.memory_space<hbm>> -> memref<1000000x32xf32, #tpu.memory_space<hbm>>
      tpu.wait_indirect_dma semaphore(%arg12 : memref<!tpu.dma_semaphore, #tpu.memory_space<semaphore_mem>>) src(%dma_wait3A_170 : memref<1000000x32xf32, #tpu.memory_space<hbm>>) dst(%dma_wait3A_164 : memref<128x32xf32, #tpu.memory_space<vmem>>)
      %dma_wait3A_171 = arith.constant 6 : i32
      %dma_wait3A_172 = arith.constant 768 : i32
      %dma_wait3A_173 = arith.constant 0 : i32
      %dma_wait3A_174 = tpu.memref_slice %arg10[%dma_wait3A_172, %dma_wait3A_173] : memref<1024x32xf32, #tpu.memory_space<vmem>> -> memref<128x32xf32, #tpu.memory_space<vmem>>
      %dma_wait3A_175 = arith.constant 0 : i32
      %dma_wait3A_176 = tpu.memref_slice %arg8[%dma_wait3A_171, %dma_wait3A_175] : memref<8x128xi32, #tpu.memory_space<vmem>> -> memref<1x128xi32, #tpu.memory_space<vmem>>
      %dma_wait3A_177 = tpu.memref_squeeze %dma_wait3A_176 : memref<1x128xi32, #tpu.memory_space<vmem>> -> memref<128xi32, #tpu.memory_space<vmem>>
      %dma_wait3A_178 = arith.constant 0 : i32
      %dma_wait3A_179 = arith.constant 0 : i32
      %dma_wait3A_180 = tpu.memref_slice %arg2[%dma_wait3A_178, %dma_wait3A_179] : memref<1000000x32xf32, #tpu.memory_space<hbm>> -> memref<1000000x32xf32, #tpu.memory_space<hbm>>
      tpu.wait_indirect_dma semaphore(%arg12 : memref<!tpu.dma_semaphore, #tpu.memory_space<semaphore_mem>>) src(%dma_wait3A_180 : memref<1000000x32xf32, #tpu.memory_space<hbm>>) dst(%dma_wait3A_174 : memref<128x32xf32, #tpu.memory_space<vmem>>)
      %dma_wait3A_181 = arith.constant 7 : i32
      %dma_wait3A_182 = arith.constant 896 : i32
      %dma_wait3A_183 = arith.constant 0 : i32
      %dma_wait3A_184 = tpu.memref_slice %arg10[%dma_wait3A_182, %dma_wait3A_183] : memref<1024x32xf32, #tpu.memory_space<vmem>> -> memref<128x32xf32, #tpu.memory_space<vmem>>
      %dma_wait3A_185 = arith.constant 0 : i32
      %dma_wait3A_186 = tpu.memref_slice %arg8[%dma_wait3A_181, %dma_wait3A_185] : memref<8x128xi32, #tpu.memory_space<vmem>> -> memref<1x128xi32, #tpu.memory_space<vmem>>
      %dma_wait3A_187 = tpu.memref_squeeze %dma_wait3A_186 : memref<1x128xi32, #tpu.memory_space<vmem>> -> memref<128xi32, #tpu.memory_space<vmem>>
      %dma_wait3A_188 = arith.constant 0 : i32
      %dma_wait3A_189 = arith.constant 0 : i32
      %dma_wait3A_190 = tpu.memref_slice %arg2[%dma_wait3A_188, %dma_wait3A_189] : memref<1000000x32xf32, #tpu.memory_space<hbm>> -> memref<1000000x32xf32, #tpu.memory_space<hbm>>
      tpu.wait_indirect_dma semaphore(%arg12 : memref<!tpu.dma_semaphore, #tpu.memory_space<semaphore_mem>>) src(%dma_wait3A_190 : memref<1000000x32xf32, #tpu.memory_space<hbm>>) dst(%dma_wait3A_184 : memref<128x32xf32, #tpu.memory_space<vmem>>)
      %barrier3A = arith.constant 0 : index
      tpu.barrier barrier_id(%barrier3A)
      %jit3A = arith.constant 4 : i32
      %div3A = arith.divsi %add3A_26, %jit3A : i32
      %sign3A = arith.constant 0 : i32
      %sign3A_191 = arith.cmpi sgt, %add3A_26, %sign3A : i32
      %sign3A_192 = arith.extui %sign3A_191 : i1 to i32
      %sign3A_193 = arith.constant 0 : i32
      %sign3A_194 = arith.cmpi slt, %add3A_26, %sign3A_193 : i32
      %sign3A_195 = arith.extui %sign3A_194 : i1 to i32
      %sign3A_196 = arith.subi %sign3A_192, %sign3A_195 : i32
      %sign3A_197 = arith.constant 0 : i32
      %sign3A_198 = arith.cmpi sgt, %jit3A, %sign3A_197 : i32
      %sign3A_199 = arith.extui %sign3A_198 : i1 to i32
      %sign3A_200 = arith.constant 0 : i32
      %sign3A_201 = arith.cmpi slt, %jit3A, %sign3A_200 : i32
      %sign3A_202 = arith.extui %sign3A_201 : i1 to i32
      %sign3A_203 = arith.subi %sign3A_199, %sign3A_202 : i32
      %ne3A = arith.cmpi ne, %sign3A_196, %sign3A_203 : i32
      %rem3A = arith.remsi %add3A_26, %jit3A : i32
      %ne3A_204 = arith.constant 0 : i32
      %ne3A_205 = arith.cmpi ne, %rem3A, %ne3A_204 : i32
      %and3A_206 = arith.andi %ne3A, %ne3A_205 : i1
      %sub3A = arith.constant 1 : i32
      %sub3A_207 = arith.subi %div3A, %sub3A : i32
      %select_n3A = arith.select %and3A_206, %sub3A_207, %div3A : i32
      "tpu.region"() ({
        %run_scoped3A = tpu.sem_alloc : memref<!tpu.dma_semaphore, #tpu.memory_space<semaphore_mem>>
        %dma_start3A_208 = arith.constant 0 : i32
        %dma_start3A_209 = tpu.memref_slice %arg7[%select_n3A, %dma_start3A_208] : memref<106496x128xf32, #tpu.memory_space<hbm>> -> memref<256x128xf32, #tpu.memory_space<hbm>>
        %dma_start3A_210 = arith.constant 0 : i32
        %dma_start3A_211 = tpu.memref_slice %arg7[%select_n3A, %dma_start3A_210] : memref<106496x128xf32, #tpu.memory_space<hbm>> -> memref<256x128xf32, #tpu.memory_space<hbm>>
        tpu.enqueue_dma source(%arg11 : memref<256x128xf32, #tpu.memory_space<vmem>>) target(%dma_start3A_211 : memref<256x128xf32, #tpu.memory_space<hbm>>) target_semaphore(%run_scoped3A : memref<!tpu.dma_semaphore, #tpu.memory_space<semaphore_mem>>)
        %dma_wait3A_212 = arith.constant 0 : i32
        %dma_wait3A_213 = tpu.memref_slice %arg7[%select_n3A, %dma_wait3A_212] : memref<106496x128xf32, #tpu.memory_space<hbm>> -> memref<256x128xf32, #tpu.memory_space<hbm>>
        %dma_wait3A_214 = arith.constant 0 : i32
        %dma_wait3A_215 = tpu.memref_slice %arg7[%select_n3A, %dma_wait3A_214] : memref<106496x128xf32, #tpu.memory_space<hbm>> -> memref<256x128xf32, #tpu.memory_space<hbm>>
        tpu.wait_dma2 semaphore(%run_scoped3A : memref<!tpu.dma_semaphore, #tpu.memory_space<semaphore_mem>>) src(%arg11 : memref<256x128xf32, #tpu.memory_space<vmem>>) dst(%dma_wait3A_215 : memref<256x128xf32, #tpu.memory_space<hbm>>)
        tpu.yield
      }) : () -> ()
      "tpu.region"() ({
        %run_scoped3A = tpu.sem_alloc : memref<!tpu.dma_semaphore, #tpu.memory_space<semaphore_mem>>
        %dma_start3A_208 = arith.constant 0 : i32
        %dma_start3A_209 = tpu.memref_slice %arg6[%add3A_26, %dma_start3A_208] : memref<425984x32xf32, #tpu.memory_space<hbm>> -> memref<1024x32xf32, #tpu.memory_space<hbm>>
        %dma_start3A_210 = arith.constant 0 : i32
        %dma_start3A_211 = tpu.memref_slice %arg6[%add3A_26, %dma_start3A_210] : memref<425984x32xf32, #tpu.memory_space<hbm>> -> memref<1024x32xf32, #tpu.memory_space<hbm>>
        tpu.enqueue_dma source(%arg10 : memref<1024x32xf32, #tpu.memory_space<vmem>>) target(%dma_start3A_211 : memref<1024x32xf32, #tpu.memory_space<hbm>>) target_semaphore(%run_scoped3A : memref<!tpu.dma_semaphore, #tpu.memory_space<semaphore_mem>>)
        %dma_wait3A_212 = arith.constant 0 : i32
        %dma_wait3A_213 = tpu.memref_slice %arg6[%add3A_26, %dma_wait3A_212] : memref<425984x32xf32, #tpu.memory_space<hbm>> -> memref<1024x32xf32, #tpu.memory_space<hbm>>
        %dma_wait3A_214 = arith.constant 0 : i32
        %dma_wait3A_215 = tpu.memref_slice %arg6[%add3A_26, %dma_wait3A_214] : memref<425984x32xf32, #tpu.memory_space<hbm>> -> memref<1024x32xf32, #tpu.memory_space<hbm>>
        tpu.wait_dma2 semaphore(%run_scoped3A : memref<!tpu.dma_semaphore, #tpu.memory_space<semaphore_mem>>) src(%arg10 : memref<1024x32xf32, #tpu.memory_space<vmem>>) dst(%dma_wait3A_215 : memref<1024x32xf32, #tpu.memory_space<hbm>>)
        tpu.yield
      }) : () -> ()
    }
    %scan3A_19 = arith.constant 13 : i32
    return
  }
}

module attributes {stable_mosaic.version = 14 : i64} {
  func.func @_tc_body(%arg0: i32, %arg1: memref<2048x128xf32, #tpu.memory_space<vmem>>, %arg2: memref<2048x128xf32, #tpu.memory_space<vmem>>, %arg3: memref<128x256xf32, #tpu.memory_space<vmem>>, %arg4: memref<128x256xf32, #tpu.memory_space<vmem>>, %arg5: memref<1x256xf32, #tpu.memory_space<vmem>>) attributes {dimension_semantics = [#tpu.dimension_semantics<arbitrary>], iteration_bounds = array<i64: 48>, scalar_prefetch = 0 : i64, scratch_operands = 0 : i64, tpu.core_type = #tpu.core_type<tc>, window_params = [{transform_indices = @transform_0, window_bounds = array<i64: 2048, 128>}, {transform_indices = @transform_1, window_bounds = array<i64: 2048, 128>}, {pipeline_mode = #tpu.pipeline_mode<synchronous>, transform_indices = @transform_2, window_bounds = array<i64: 128, 256>}, {pipeline_mode = #tpu.pipeline_mode<synchronous>, transform_indices = @transform_3, window_bounds = array<i64: 128, 256>}, {pipeline_mode = #tpu.pipeline_mode<synchronous>, transform_indices = @transform_4, window_bounds = array<i64: 1, 256>}]} {
    %get3A = arith.constant 0 : index
    %get3A_0 = arith.constant 0 : index
    %get3A_1 = vector.load %arg1[%get3A, %get3A_0] : memref<2048x128xf32, #tpu.memory_space<vmem>>, vector<2048x128xf32>
    %get3A_2 = arith.constant 0 : index
    %get3A_3 = arith.constant 0 : index
    %get3A_4 = vector.load %arg3[%get3A_2, %get3A_3] : memref<128x256xf32, #tpu.memory_space<vmem>>, vector<128x256xf32>
    %dot_general3A = arith.constant dense<0.000000e+00> : vector<2048x256xf32>
    %dot_general3A_5 = tpu.matmul %get3A_1, %get3A_4, %dot_general3A {dimension_numbers = #tpu.dot_dimension_numbers<[1], [0], [0], [1], [0, 0, 1, 1], [], []>, transpose_lhs_hint = false} : vector<2048x128xf32>, vector<128x256xf32>, vector<2048x256xf32> -> vector<2048x256xf32>
    %get3A_6 = arith.constant 0 : index
    %get3A_7 = arith.constant 0 : index
    %get3A_8 = vector.load %arg2[%get3A_6, %get3A_7] : memref<2048x128xf32, #tpu.memory_space<vmem>>, vector<2048x128xf32>
    %get3A_9 = arith.constant 0 : index
    %get3A_10 = arith.constant 0 : index
    %get3A_11 = vector.load %arg4[%get3A_9, %get3A_10] : memref<128x256xf32, #tpu.memory_space<vmem>>, vector<128x256xf32>
    %dot_general3A_12 = arith.constant dense<0.000000e+00> : vector<2048x256xf32>
    %dot_general3A_13 = tpu.matmul %get3A_8, %get3A_11, %dot_general3A_12 {dimension_numbers = #tpu.dot_dimension_numbers<[1], [0], [0], [1], [0, 0, 1, 1], [], []>, transpose_lhs_hint = false} : vector<2048x128xf32>, vector<128x256xf32>, vector<2048x256xf32> -> vector<2048x256xf32>
    %add3A = arith.addf %dot_general3A_5, %dot_general3A_13 : vector<2048x256xf32>
    %max3A = arith.constant 0.000000e+00 : f32
    %max3A_14 = vector.broadcast %max3A : f32 to vector<2048x256xf32>
    %max3A_15 = arith.maximumf %add3A, %max3A_14 : vector<2048x256xf32>
    %broadcast_in_dim3A = arith.constant 1.000000e+00 : f32
    %broadcast_in_dim3A_16 = vector.broadcast %broadcast_in_dim3A : f32 to vector<1x2048xf32>
    %dot_general3A_17 = arith.constant dense<0.000000e+00> : vector<1x256xf32>
    %dot_general3A_18 = tpu.matmul %broadcast_in_dim3A_16, %max3A_15, %dot_general3A_17 {dimension_numbers = #tpu.dot_dimension_numbers<[1], [0], [0], [1], [0, 0, 1, 1], [], []>, transpose_lhs_hint = false} : vector<1x2048xf32>, vector<2048x256xf32>, vector<1x256xf32> -> vector<1x256xf32>
    %eq3A = arith.constant 0 : i32
    %eq3A_19 = arith.cmpi eq, %arg0, %eq3A : i32
    %convert_element_type3A = arith.extui %eq3A_19 : i1 to i32
    %cond3A = arith.constant 0 : i32
    %cond3A_20 = arith.cmpi ne, %convert_element_type3A, %cond3A : i32
    scf.if %cond3A_20 {
      %broadcast_in_dim3A_27 = arith.constant 0.000000e+00 : f32
      %broadcast_in_dim3A_28 = vector.broadcast %broadcast_in_dim3A_27 : f32 to vector<1x256xf32>
      %swap3A_29 = arith.constant 0 : index
      %swap3A_30 = arith.constant 0 : index
      %swap3A_31 = vector.load %arg5[%swap3A_29, %swap3A_30] : memref<1x256xf32, #tpu.memory_space<vmem>>, vector<1x256xf32>
      tpu.vector_store %arg5[%swap3A_29, %swap3A_30], %broadcast_in_dim3A_28 {strides = array<i32>} : memref<1x256xf32, #tpu.memory_space<vmem>>, vector<1x256xf32>,
    } else {
    }
    %get3A_21 = arith.constant 0 : index
    %get3A_22 = arith.constant 0 : index
    %get3A_23 = vector.load %arg5[%get3A_21, %get3A_22] : memref<1x256xf32, #tpu.memory_space<vmem>>, vector<1x256xf32>
    %add3A_24 = arith.addf %get3A_23, %dot_general3A_18 : vector<1x256xf32>
    %swap3A = arith.constant 0 : index
    %swap3A_25 = arith.constant 0 : index
    %swap3A_26 = vector.load %arg5[%swap3A, %swap3A_25] : memref<1x256xf32, #tpu.memory_space<vmem>>, vector<1x256xf32>
    tpu.vector_store %arg5[%swap3A, %swap3A_25], %add3A_24 {strides = array<i32>} : memref<1x256xf32, #tpu.memory_space<vmem>>, vector<1x256xf32>,
    return
  }
  func.func @transform_0(%arg0: i32) -> (i32, i32) {
    %c0_i32 = arith.constant 0 : i32
    %c0_i32_0 = arith.constant 0 : i32
    return %arg0, %c0_i32 : i32, i32
  }
  func.func @transform_1(%arg0: i32) -> (i32, i32) {
    %c0_i32 = arith.constant 0 : i32
    %c0_i32_0 = arith.constant 0 : i32
    return %arg0, %c0_i32 : i32, i32
  }
  func.func @transform_2(%arg0: i32) -> (i32, i32) {
    %c0_i32 = arith.constant 0 : i32
    %c0_i32_0 = arith.constant 0 : i32
    %c0_i32_1 = arith.constant 0 : i32
    return %c0_i32, %c0_i32_0 : i32, i32
  }
  func.func @transform_3(%arg0: i32) -> (i32, i32) {
    %c0_i32 = arith.constant 0 : i32
    %c0_i32_0 = arith.constant 0 : i32
    %c0_i32_1 = arith.constant 0 : i32
    return %c0_i32, %c0_i32_0 : i32, i32
  }
  func.func @transform_4(%arg0: i32) -> (i32, i32) {
    %c0_i32 = arith.constant 0 : i32
    %c0_i32_0 = arith.constant 0 : i32
    %c0_i32_1 = arith.constant 0 : i32
    return %c0_i32, %c0_i32_0 : i32, i32
  }
}

module attributes {stable_mosaic.version = 14 : i64} {
  func.func @_tc_body(%arg0: i32, %arg1: memref<2048x128xf32, #tpu.memory_space<vmem>>, %arg2: memref<2048x128xf32, #tpu.memory_space<vmem>>, %arg3: memref<128x256xf32, #tpu.memory_space<vmem>>, %arg4: memref<128x256xf32, #tpu.memory_space<vmem>>, %arg5: memref<1x256xf32, #tpu.memory_space<vmem>>) attributes {dimension_semantics = [#tpu.dimension_semantics<arbitrary>], iteration_bounds = array<i64: 52>, scalar_prefetch = 0 : i64, scratch_operands = 0 : i64, tpu.core_type = #tpu.core_type<tc>, window_params = [{transform_indices = @transform_0, window_bounds = array<i64: 2048, 128>}, {transform_indices = @transform_1, window_bounds = array<i64: 2048, 128>}, {pipeline_mode = #tpu.pipeline_mode<synchronous>, transform_indices = @transform_2, window_bounds = array<i64: 128, 256>}, {pipeline_mode = #tpu.pipeline_mode<synchronous>, transform_indices = @transform_3, window_bounds = array<i64: 128, 256>}, {pipeline_mode = #tpu.pipeline_mode<synchronous>, transform_indices = @transform_4, window_bounds = array<i64: 1, 256>}]} {
    %get3A = arith.constant 0 : index
    %get3A_0 = arith.constant 0 : index
    %get3A_1 = vector.load %arg1[%get3A, %get3A_0] : memref<2048x128xf32, #tpu.memory_space<vmem>>, vector<2048x128xf32>
    %get3A_2 = arith.constant 0 : index
    %get3A_3 = arith.constant 0 : index
    %get3A_4 = vector.load %arg3[%get3A_2, %get3A_3] : memref<128x256xf32, #tpu.memory_space<vmem>>, vector<128x256xf32>
    %dot_general3A = arith.constant dense<0.000000e+00> : vector<2048x256xf32>
    %dot_general3A_5 = tpu.matmul %get3A_1, %get3A_4, %dot_general3A {dimension_numbers = #tpu.dot_dimension_numbers<[1], [0], [0], [1], [0, 0, 1, 1], [], []>, transpose_lhs_hint = false} : vector<2048x128xf32>, vector<128x256xf32>, vector<2048x256xf32> -> vector<2048x256xf32>
    %get3A_6 = arith.constant 0 : index
    %get3A_7 = arith.constant 0 : index
    %get3A_8 = vector.load %arg2[%get3A_6, %get3A_7] : memref<2048x128xf32, #tpu.memory_space<vmem>>, vector<2048x128xf32>
    %get3A_9 = arith.constant 0 : index
    %get3A_10 = arith.constant 0 : index
    %get3A_11 = vector.load %arg4[%get3A_9, %get3A_10] : memref<128x256xf32, #tpu.memory_space<vmem>>, vector<128x256xf32>
    %dot_general3A_12 = arith.constant dense<0.000000e+00> : vector<2048x256xf32>
    %dot_general3A_13 = tpu.matmul %get3A_8, %get3A_11, %dot_general3A_12 {dimension_numbers = #tpu.dot_dimension_numbers<[1], [0], [0], [1], [0, 0, 1, 1], [], []>, transpose_lhs_hint = false} : vector<2048x128xf32>, vector<128x256xf32>, vector<2048x256xf32> -> vector<2048x256xf32>
    %add3A = arith.addf %dot_general3A_5, %dot_general3A_13 : vector<2048x256xf32>
    %max3A = arith.constant 0.000000e+00 : f32
    %max3A_14 = vector.broadcast %max3A : f32 to vector<2048x256xf32>
    %max3A_15 = arith.maximumf %add3A, %max3A_14 : vector<2048x256xf32>
    %broadcast_in_dim3A = arith.constant 1.000000e+00 : f32
    %broadcast_in_dim3A_16 = vector.broadcast %broadcast_in_dim3A : f32 to vector<1x2048xf32>
    %dot_general3A_17 = arith.constant dense<0.000000e+00> : vector<1x256xf32>
    %dot_general3A_18 = tpu.matmul %broadcast_in_dim3A_16, %max3A_15, %dot_general3A_17 {dimension_numbers = #tpu.dot_dimension_numbers<[1], [0], [0], [1], [0, 0, 1, 1], [], []>, transpose_lhs_hint = false} : vector<1x2048xf32>, vector<2048x256xf32>, vector<1x256xf32> -> vector<1x256xf32>
    %eq3A = arith.constant 0 : i32
    %eq3A_19 = arith.cmpi eq, %arg0, %eq3A : i32
    %convert_element_type3A = arith.extui %eq3A_19 : i1 to i32
    %cond3A = arith.constant 0 : i32
    %cond3A_20 = arith.cmpi ne, %convert_element_type3A, %cond3A : i32
    scf.if %cond3A_20 {
      %broadcast_in_dim3A_27 = arith.constant 0.000000e+00 : f32
      %broadcast_in_dim3A_28 = vector.broadcast %broadcast_in_dim3A_27 : f32 to vector<1x256xf32>
      %swap3A_29 = arith.constant 0 : index
      %swap3A_30 = arith.constant 0 : index
      %swap3A_31 = vector.load %arg5[%swap3A_29, %swap3A_30] : memref<1x256xf32, #tpu.memory_space<vmem>>, vector<1x256xf32>
      tpu.vector_store %arg5[%swap3A_29, %swap3A_30], %broadcast_in_dim3A_28 {strides = array<i32>} : memref<1x256xf32, #tpu.memory_space<vmem>>, vector<1x256xf32>,
    } else {
    }
    %get3A_21 = arith.constant 0 : index
    %get3A_22 = arith.constant 0 : index
    %get3A_23 = vector.load %arg5[%get3A_21, %get3A_22] : memref<1x256xf32, #tpu.memory_space<vmem>>, vector<1x256xf32>
    %add3A_24 = arith.addf %get3A_23, %dot_general3A_18 : vector<1x256xf32>
    %swap3A = arith.constant 0 : index
    %swap3A_25 = arith.constant 0 : index
    %swap3A_26 = vector.load %arg5[%swap3A, %swap3A_25] : memref<1x256xf32, #tpu.memory_space<vmem>>, vector<1x256xf32>
    tpu.vector_store %arg5[%swap3A, %swap3A_25], %add3A_24 {strides = array<i32>} : memref<1x256xf32, #tpu.memory_space<vmem>>, vector<1x256xf32>,
    return
  }
  func.func @transform_0(%arg0: i32) -> (i32, i32) {
    %c0_i32 = arith.constant 0 : i32
    %c0_i32_0 = arith.constant 0 : i32
    return %arg0, %c0_i32 : i32, i32
  }
  func.func @transform_1(%arg0: i32) -> (i32, i32) {
    %c0_i32 = arith.constant 0 : i32
    %c0_i32_0 = arith.constant 0 : i32
    return %arg0, %c0_i32 : i32, i32
  }
  func.func @transform_2(%arg0: i32) -> (i32, i32) {
    %c0_i32 = arith.constant 0 : i32
    %c0_i32_0 = arith.constant 0 : i32
    %c0_i32_1 = arith.constant 0 : i32
    return %c0_i32, %c0_i32_0 : i32, i32
  }
  func.func @transform_3(%arg0: i32) -> (i32, i32) {
    %c0_i32 = arith.constant 0 : i32
    %c0_i32_0 = arith.constant 0 : i32
    %c0_i32_1 = arith.constant 0 : i32
    return %c0_i32, %c0_i32_0 : i32, i32
  }
  func.func @transform_4(%arg0: i32) -> (i32, i32) {
    %c0_i32 = arith.constant 0 : i32
    %c0_i32_0 = arith.constant 0 : i32
    %c0_i32_1 = arith.constant 0 : i32
    return %c0_i32, %c0_i32_0 : i32, i32
  }
}

</mosaic_0001>

<sc_bundles>
// kernel: kernel.6.cloned.1.call-start
scs
__scs_entry_jumppad:
0x0: {  	(pc) =	sbr.rel $0x88, $3  }
0x1: {  	(tag) =	ssettag $0x0;
	lr =	simm.s32 $0x1  }
0x2: {  	[smem:$0x3F9A] =	sst lr;
	_ =	strace $0xD0000000  }
0x3: {  	_ = 	snop  }
0x4: {  	_ = 	snop  }
0x5: {  	_ = 	snop  }
0x6: {  	_ = 	snop  }
0x7: {  	_ = 	snop  }
__scs_overlays_trampoline_lowered:
0x8: {  	[smem:$0x3FA9] =	sst s0  }
0x9: {  	[smem:$0x3FAA] =	sst s1  }
0xa: {  	[smem:$0x3FAB] =	sst s2  }
0xb: {  	[smem:$0x3FAC] =	sst s3  }
0xc: {  	[smem:$0x3FAD] =	sst s4  }
0xd: {  	[smem:$0x3FAE] =	sst s5  }
0xe: {  	[smem:$0x3FAF] =	sst s6  }
0xf: {  	[smem:$0x3FB0] =	sst s7  }
0x10: {  	[smem:$0x3FB1] =	sst s8  }
0x11: {  	[smem:$0x3FB2] =	sst s9;
	s0 =	simm.s32 @!p0 $0x0  }
0x12: {  	s1 =	sld [smem:$0x3F98];
	s0 =	simm.s32 @p0 $0x1  }
0x13: {  	[smem:$0x3FB3] =	sst s0;
	s0 =	simm.s32 @!p1 $0x0  }
0x14: {  	s2 =	sld [smem:$0x3F97];
	s0 =	simm.s32 @p1 $0x1  }
0x15: {  	[smem:$0x3FB4] =	sst s0;
	s0 =	simm.s32 @!p2 $0x0  }
0x16: {  	s3 =	sld [smem:$0x3FDB];
	s0 =	simm.s32 @p2 $0x1  }
0x17: {  	s4 =	simm.s32 $0x1BF5;
	[smem:$0x3FB6] =	sst s0  }
0x18: {  	s0 =	sld [smem:$0x3F99];
	_ =	swait.ge [sflag:s4], $0x0  }
0x19: {  	s7 =	sld [smem:$0x3F9A]  }
0x1a: {  	s8 =	sadd.s32 $0xFFFFE003, lr  }
0x1b: {  	s9 =	sadd.s32 $0xFFFFFEF7, lr;
	s5 =	simm.s32 $0xFFFFFFFF;
	p2 =	slt.u32 s8, $0xFFFFF086  }
0x1c: {  	p1 =	slt.u32 s9, $0xF7A;
	s5 =	simm.s32 @!p2 $0x0  }
0x1d: {  	s5 =	simm.s32 @p1 $0x1;
	p0 =	seq.s32 s7, s2  }
0x1e: {  	s7 =	smul.u32 @!p0 $0xF7A, s2;
	p2 =	seq.s32 @!p0 s5, $0x0  }
0x1f: {  	s9 =	smul.u32 $0xF7A, s1;
	s8 =	simm.s32 @!p0 $0x1BF5;
	p2 =	por !p2, p0  }
0x20: {  	[sflag:s8] =	ssyncset.s32 @!p0 $0xFFFFF086;
	s6 =	sadd.s32 @!p0 s3, s7;
	s7 =	simm.s32 @!p0 $0x108  }
0x21: {  	s3 =	sadd.s32 s3, s9;
	s6 =	sadd.s32 @!p0 $0x88, s6;
	s7 =	simm.s32 @p2 $0x1082  }
0x22: {  	[simem:s7], [sflag:s8] =	dma.local @!p0 [hbm:s6], $0xF7A  }
0x23: {  	s9 =	sor.u32 $0xD0000000, s2;
	s6 =	simm.s32 $0x108;
	_ =	swait.ge @!p0 [sflag:s8], $0x0  }
0x24: {  	s3 =	sadd.s32 $0x88, s3;
	s6 =	simm.s32 @!p1 $0x1082;
	[sflag:s4] =	ssyncset.s32 $0xFFFFF086  }
0x25: {  	[simem:s6], [sflag:s4] =	dma.local [hbm:s3], $0xF7A  }
0x26: {  	[smem:$0x3F9A] =	sst s1;
	(tag) =	ssettag s2;
	_ =	strace s9  }
0x27: {  	s1 =	sld [smem:$0x3FAA]  }
0x28: {  	s2 =	sld [smem:$0x3FAB]  }
0x29: {  	s4 =	sld [smem:$0x3FAD]  }
0x2a: {  	p0 =	seq.s32 s5, $0x0;
	s5 =	sld [smem:$0x3FAE]  }
0x2b: {  	s6 =	sld [smem:$0x3FAF]  }
0x2c: {  	s7 =	sld [smem:$0x3FB0]  }
0x2d: {  	s3 =	simm.s32 $0x108;
	s8 =	sld [smem:$0x3FB1]  }
0x2e: {  	s3 =	simm.s32 @!p0 $0x1082;
	s9 =	sld [smem:$0x3FB2]  }
0x2f: {  	lr =	sadd.s32 s0, s3;
	s0 =	sld [smem:$0x3FA9]  }
0x30: {  	s3 =	sld [smem:$0x3FAC]  }
0x31: {  	[smem:$0x3FB5] =	sst s10  }
0x32: {  	s10 =	sld [smem:$0x3FB3];
	_ =	sdelay $0x3  }
0x33: {  	p0 =	seq.s32 s10, $0x1;
	s10 =	sld [smem:$0x3FB5];
	_ =	sdelay $0x3  }
0x34: {  	[smem:$0x3FB5] =	sst s10  }
0x35: {  	s10 =	sld [smem:$0x3FB4];
	_ =	sdelay $0x3  }
0x36: {  	p1 =	seq.s32 s10, $0x1;
	s10 =	sld [smem:$0x3FB5];
	_ =	sdelay $0x3  }
0x37: {  	[smem:$0x3FB5] =	sst s10  }
0x38: {  	s10 =	sld [smem:$0x3FB6]  }
0x39: {  	_ = 	snop;
	(pc) =	sbr.ind lr, $3  }
0x3a: {  	_ = 	snop  }
0x3b: {  	_ = 	snop  }
0x3c: {  	p2 =	seq.s32 s10, $0x1;
	s10 =	sld [smem:$0x3FB5]  }
0x3d: {  	_ =	shalt  }
0x3e: {  	_ =	shalt  }
0x3f: {  	_ =	shalt  }
0x40: {  	_ =	shalt  }
0x41: {  	_ =	shalt  }
0x42: {  	_ =	shalt  }
0x43: {  	_ =	shalt  }
0x44: {  	_ =	shalt  }
0x45: {  	_ =	shalt  }
0x46: {  	_ =	shalt  }
0x47: {  	_ =	shalt  }
0x48: {  	_ =	shalt  }
0x49: {  	_ =	shalt  }
0x4a: {  	_ =	shalt  }
0x4b: {  	_ =	shalt  }
0x4c: {  	_ =	shalt  }
0x4d: {  	_ =	shalt  }
0x4e: {  	_ =	shalt  }
0x4f: {  	_ =	shalt  }
0x50: {  	_ =	shalt  }
0x51: {  	_ =	shalt  }
0x52: {  	_ =	shalt  }
0x53: {  	_ =	shalt  }
0x54: {  	_ =	shalt  }
0x55: {  	_ =	shalt  }
0x56: {  	_ =	shalt  }
0x57: {  	_ =	shalt  }
0x58: {  	_ =	shalt  }
0x59: {  	_ =	shalt  }
0x5a: {  	_ =	shalt  }
0x5b: {  	_ =	shalt  }
0x5c: {  	_ =	shalt  }
0x5d: {  	_ =	shalt  }
0x5e: {  	_ =	shalt  }
0x5f: {  	_ =	shalt  }
0x60: {  	_ =	shalt  }
0x61: {  	_ =	shalt  }
0x62: {  	_ =	shalt  }
0x63: {  	_ =	shalt  }
0x64: {  	_ =	shalt  }
0x65: {  	_ =	shalt  }
0x66: {  	_ =	shalt  }
0x67: {  	_ =	shalt  }
0x68: {  	_ =	shalt  }
0x69: {  	_ =	shalt  }
0x6a: {  	_ =	shalt  }
0x6b: {  	_ =	shalt  }
0x6c: {  	_ =	shalt  }
0x6d: {  	_ =	shalt  }
0x6e: {  	_ =	shalt  }
0x6f: {  	_ =	shalt  }
0x70: {  	_ =	shalt  }
0x71: {  	_ =	shalt  }
0x72: {  	_ =	shalt  }
0x73: {  	_ =	shalt  }
0x74: {  	_ =	shalt  }
0x75: {  	_ =	shalt  }
0x76: {  	_ =	shalt  }
0x77: {  	_ =	shalt  }
0x78: {  	_ =	shalt  }
0x79: {  	_ =	shalt  }
0x7a: {  	_ =	shalt  }
0x7b: {  	_ =	shalt  }
0x7c: {  	_ =	shalt  }
0x7d: {  	_ =	shalt  }
0x7e: {  	_ =	shalt  }
0x7f: {  	_ =	shalt  }
0x80: {  	_ =	shalt  }
0x81: {  	_ =	shalt  }
0x82: {  	_ =	shalt  }
0x83: {  	_ =	shalt  }
0x84: {  	_ =	shalt  }
0x85: {  	_ =	shalt  }
0x86: {  	_ =	shalt  }
0x87: {  	_ =	shalt  }
.Lfunc_end0:
.L_simem_size_0:
called_computation_lowered:
.L_overlay_start_0:
0x88: {  	s2 =	sld [smem:$0x3FD9]  }
0x89: {  	s3 =	sld [smem:$0x3FFE];
	_ =	sdelay $0x1  }
0x8a: {  	s1 =	srdreg.scid  }
0x8b: {  	s0 =	sand.u32 $0x1, s1  }
0x8c: {  	s16 =	sshll.u32 s0, $0xA;
	s2 =	sadd.s32 s3, s2  }
0x8d: {  	s2 =	sadd.s32 s2, s16  }
0x8e: {  	[smem:$0x3FC1] =	sst s2  }
0x8f: {  	_ = 	snop  }
0x90: {  	(tm) =	ssettm $0x1  }
0x91: {  	s17 =	sld [smem:$0x3FFB];
	_ =	sdelay $0x3  }
0x92: {  	_ =	strace s17  }
0x93: {  	s2 =	sld [smem:$0x3FFC];
	_ =	sdelay $0x3  }
0x94: {  	_ =	strace s2  }
0x95: {  	s2 =	sld [smem:$0x3FFD];
	_ =	sdelay $0x3  }
0x96: {  	_ =	strace s2  }
0x97: {  	_ =	strace $0x8FFFFFFF  }
0x98: {  	s18 =	sld [smem:$0x3FDB];
	_ =	sdelay $0x1  }
0x99: {  	s19 =	simm.s32 $_scs_section_size  }
0x9a: {  	s4 =	simm.s32 $_size__tile_overlayer_lowered;
	s5 =	simm.s32 $_tile_overlayer_lowered  }
0x9b: {  	s22 =	simm.s32 $0x1BFF;
	s21 =	sshll.u32 s5, $0x1;
	s2 =	sadd.s32 s19, s18  }
0x9c: {  	s6 =	simm.s32 $0x0;
	s20 =	sshll.u32 s4, $0x1;
	s4 =	sadd.s32 s21, s2  }
0x9d: {  	[timem:s6], [sflag:s22] =	dma.local [hbm:s4], s20  }
0x9e: {  	_ =	swait.ge [sflag:s22], s20  }
0x9f: {  	s3 =	ssub.s32 $0x0, s20;
	[sflag:s22] =	ssyncset.done $0x0  }
0xa0: {  	[sflag:s22] =	ssyncadd.s32 s3;
	_ =	sdelay $0x1  }
0xa1: {  	s23 =	simm.s32 $0x1B8B  }
0xa2: {  	_ =	swait.ge [sflag:s23], $0x1  }
0xa3: {  	[sflag:s23] =	ssyncset.done $0x0  }
0xa4: {  	s25 =	simm.s32 $0x1B8E;
	s24 =	sld [smem:$0x3FFE];
	[sflag:s23] =	ssyncadd.s32 $0xFFFFFFFF  }
0xa5: {  	s26 =	simm.s32 $execute0_lowered;
	[smem:$0x3FD2] =	sst s25  }
0xa6: {  	s4 =	sshll.u32 s26, $0x1;
	_ =	strace $0x80000046;
	[dreg:$0x1] =	wrdreg $0xFFFFFFFF  }
0xa7: {  	s28 =	simm.s32 $_size_execute0_lowered;
	s2 =	sadd.s32 s2, s4;
	[dreg:$0x0] =	wrdreg $0x0  }
0xa8: {  	s4 =	sshll.u32 s28, $0x1;
	[dreg:$0x2] =	wrdreg s2  }
0xa9: {  	[dreg:$0x3] =	wrdreg s4  }
0xaa: {  	[dreg:$0x4] =	wrdreg $0xC0  }
0xab: {  	_ =	task [dreg:s6], $0x5FFFF  }
0xac: {  	[dreg:$0x1] =	wrdreg $0xFFFFFFFF  }
0xad: {  	[dreg:$0x0] =	wrdreg $0x60  }
0xae: {  	[dreg:$0x2] =	wrdreg s24  }
0xaf: {  	[dreg:$0x3] =	wrdreg $0x9  }
0xb0: {  	_ =	task.clear_ibuf [dreg:s6], $0x4FFFF;
	_ =	strace $0x90000046  }
0xb1: {  	s29 =	simm.s32 $0x9;
	_ =	strace $0x80000048  }
0xb2: {  	_ =	swait.ge [sflag:s29], $0x1  }
0xb3: {  	[sflag:s29] =	ssyncadd.s32 $0xFFFFFFFF  }
0xb4: {  	_ =	strace $0x90000048  }
0xb5: {  	_ =	sfence  }
0xb6: {  	s30 =	sld [smem:$0x0];
	_ =	sdelay $0x2  }
0xb7: {  	s31 =	sshll.u32 s1, $0xD;
	s1 =	sshrl.u32 s1, $0x2  }
0xb8: {  	s3 =	sand.u32 $0x4000, s31;
	s1 =	sadd.s32 s1, s30  }
0xb9: {  	s0 =	sor.u32 s3, s0;
	s1 =	sshll.u32 s1, $0x11  }
0xba: {  	s0 =	sor.u32 s1, s0  }
0xbb: {  	s0 =	sadd.s32 $0x8F2B, s0  }
0xbc: {  	[sflag:s0] =	ssyncadd.remote.s32 $0x1  }
0xbd: {  	_ =	sfence.sel $0xFFFF  }
0xbe: {  	[dreg:$0x0] =	wrdreg $0xFFFFFFFF;
	(pc) =	sbr.abs _section_cstart, $3  }
0xbf: {  	[dreg:$0x1] =	wrdreg $0xFFFFFFFF  }
0xc0: {  	_ =	task.clear_ibuf [dreg:s6], $0x2FFFF;
	_ =	strace $0x9FFFFFFF  }
0xc1: {  	(tm) =	ssettm $0x7FFFFFFF  }
tec
execute0_lowered:
.L_overlay_start_1:
0x0: {  	(tag) =	ssettag $0x1  }
0x1: {  	s0 =	rddreg [dreg:$0x0]  }
0x2: {  	s1 =	simm.s32 $0x0;
	s2 =	srdreg.scid;
	s7 =	stileid.u32  }
0x3: {  	s11 =	simm.s32 $0x8800;
	s12 =	simm.s32 $0x2;
	s13 =	simm.s32 $0x80  }
0x4: {  	s14 =	simm.s32 $0x800;
	s17 =	simm.s32 $0x2800;
	s18 =	simm.s32 $0x180  }
0x5: {  	s19 =	simm.s32 $0x3800;
	s20 =	simm.s32 $0x200;
	s21 =	simm.s32 $0x4800  }
0x6: {  	s22 =	simm.s32 $0x280;
	s23 =	simm.s32 $0x5800;
	s24 =	simm.s32 $0x300  }
0x7: {  	s25 =	simm.s32 $0x6800;
	s28 =	simm.s32 $0x7800;
	s29 =	simm.s32 $0x400  }
0x8: {  	s30 =	simm.s32 $0x1;
	[smem:$0x7FF] =	sst s1;
	s3 =	sadd.s32 $0xF43600, s0  }
0x9: {  	s4 =	sadd.s32 $0x1200, s0;
	s5 =	sadd.s32 $0xD200, s0;
	s2 =	sand.u32 $0x1, s2  }
0xa: {  	v1 =	vlaneseq.u32;
	s6 =	sadd.s32 $0x19200, s0;
	s8 =	sshll.u32 s7, $0x1;
	s26 =	ssub.s32 $0x2, s2  }
0xb: {  	s7 =	sadd.s32 $0x1A200, s0;
	v0 =	vand.u32 $0x3, v1;
	_ =	strace $0x80000047;
	s9 =	sshrl.u32 s26, $0x1  }
0xc: {  	v1 =	vshrl.u32 v1, $0x2;
	[dreg:$0x2] =	wrdreg s6;
	s2 =	sor.u32 s2, s8;
	v0 =	vmul.u32 $0x20, v0;
	s31 =	ssub.s32 s26, s9  }
0xd: {  	s8 =	sadd.s32 $0x19A200, s0;
	v1 =	vmul.u32 $0x80, v1;
	s9 =	smul.u32 $0x3000, s2;
	s0 =	smax.u32 s31, $0x1  }
0xe: {  	v3 =	vimm.f32 $1.000000000e+00;
	s26 =	simm.s32 $0x380;
	v2 =	vor.u32 $0x1, v0;
	s2 =	simm.s32 $0x0;
	[dreg:$0x3] =	wrdreg s0  }
.LBB2_1:
0xf: {  	[dreg:$0x4] =	wrdreg s2  }
0x10: {  	s0 =	rddreg [dreg:$0x2]  }
0x11: {  	[tilespmem:s11], [sflag:$0x2] =	stream.linear.gather [hbm4b:s0+s1], $0x8000, $0x38;
	[tilespmem:$0x10800] =	vst v63  }
0x12: {  	_ =	swait.ge [sflag:s12], $0x8000  }
0x13: {  	[sflag:s12] =	ssyncset.done $0x0  }
0x14: {  	s0 =	simm.s32 $0x0;
	[sflag:s12] =	ssyncadd.s32 $0xFFFF8000  }
.LBB2_2:
0x15: {  	s2 =	sshll.u32 s0, $0xA  }
0x16: {  	s2 =	sadd.s32 s9, s2  }
0x17: {  	s6 =	sshrl.u32 s2, $0x3  }
0x18: {  	s15 =	simm.s32 $0x0;
	s10 =	sadd.s32 s4, s6  }
0x19: {  	[tilespmem:s15], [sflag:$0x2] =	stream.linear.gather [hbm4b:s10+s15], $0x400, $0x38;
	[tilespmem:$0x10800] =	vst v63  }
0x1a: {  	_ =	swait.ge [sflag:s12], $0x400  }
0x1b: {  	[sflag:s12] =	ssyncset.done $0x0  }
0x1c: {  	[sflag:s12] =	ssyncadd.s32 $0xFFFFFC00  }
0x1d: {  	[tilespmem:s14], [sflag:$0x1] =	stream.indirect.gather [hbm4b:s3+s13], $0x20, s15, s13, $0xb8;
	[tilespmem:$0x10800] =	vst v63  }
0x1e: {  	s16 =	simm.s32 $0x1800  }
0x1f: {  	[tilespmem:s16], [sflag:$0x1] =	stream.indirect.gather [hbm4b:s3+s13], $0x20, s13, s13, $0xb8;
	[tilespmem:$0x10800] =	vst v63  }
0x20: {  	s16 =	simm.s32 $0x100  }
0x21: {  	[tilespmem:s17], [sflag:$0x1] =	stream.indirect.gather [hbm4b:s3+s13], $0x20, s16, s13, $0xb8;
	[tilespmem:$0x10800] =	vst v63  }
0x22: {  	_ = 	snop  }
0x23: {  	[tilespmem:s19], [sflag:$0x1] =	stream.indirect.gather [hbm4b:s3+s13], $0x20, s18, s13, $0xb8;
	[tilespmem:$0x10800] =	vst v63  }
0x24: {  	_ = 	snop  }
0x25: {  	[tilespmem:s21], [sflag:$0x1] =	stream.indirect.gather [hbm4b:s3+s13], $0x20, s20, s13, $0xb8;
	[tilespmem:$0x10800] =	vst v63  }
0x26: {  	_ = 	snop  }
0x27: {  	[tilespmem:s23], [sflag:$0x1] =	stream.indirect.gather [hbm4b:s3+s13], $0x20, s22, s13, $0xb8;
	[tilespmem:$0x10800] =	vst v63  }
0x28: {  	_ = 	snop  }
0x29: {  	[tilespmem:s25], [sflag:$0x1] =	stream.indirect.gather [hbm4b:s3+s13], $0x20, s24, s13, $0xb8;
	[tilespmem:$0x10800] =	vst v63  }
0x2a: {  	_ = 	snop  }
0x2b: {  	[tilespmem:s28], [sflag:$0x1] =	stream.indirect.gather [hbm4b:s3+s13], $0x20, s26, s13, $0xb8;
	[tilespmem:$0x10800] =	vst v63  }
0x2c: {  	s6 =	sadd.s32 s5, s6  }
0x2d: {  	[tilespmem:s29], [sflag:$0x2] =	stream.linear.gather [hbm4b:s6+s15], $0x400, $0x38;
	[tilespmem:$0x10800] =	vst v63  }
0x2e: {  	v4 =	vmov s15;
	s10 =	sand.u32 $0xE00, s15;
	_ =	swait.ge [sflag:s12], $0x400  }
0x2f: {  	v4 =	vshll.u32 v4, $0x7;
	s15 =	sand.u32 $0x70, s15;
	s6 =	sshrl.u32 s10, $0x2;
	[sflag:s12] =	ssyncset.done $0x0  }
0x30: {  	v4 =	vor.u32 v1, v4;
	s6 =	sor.u32 s15, s6;
	[sflag:s12] =	ssyncadd.s32 $0xFFFFFC00  }
0x31: {  	v7 =	vor.u32 v0, v4;
	v6 =	vld [tilespmem:s6+$0x400]  }
0x32: {  	v4 =	vor.u32 v2, v4;
	_ =	sdelay $0x1  }
0x33: {  	s16 =	simm.s32 $0x40;
	s6 =	simm.s32 $0x4  }
0x34: {  	s16 =	sand.u32 $0xE00, s16;
	s10 =	simm.s32 $0x10;
	v5 =	vmov s6  }
0x35: {  	s31 =	simm.s32 $0x80;
	s16 =	sshrl.u32 s16, $0x2;
	s15 =	sand.u32 $0x70, s10;
	v5 =	vshll.u32 v5, $0x7;
	[tilespmem:v7+s11+$0x0] =	vst.idx.msk $0xffff, v6  }
.LBB2_3:
0x36: {  	p0 =	sne.s32 s31, $0xFC0;
	s15 =	sor.u32 s15, s16;
	v5 =	vor.u32 v1, v5;
	[tilespmem:v4+s11+$0x0] =	vst.idx.msk $0xffff, v3  }
0x37: {  	v6 =	vld [tilespmem:s15+$0x400];
	v7 =	vor.u32 v0, v5  }
.Ltmp0:
0x38: {  	v4 =	vor.u32 v2, v5;
	(pc) =	sbr.rel @p0 .LBB2_3-.Ltmp0, $4  }
0x39: {  	_ = 	snop  }
0x3a: {  	s6 =	sadd.s32 $0x4, s6  }
0x3b: {  	s16 =	sand.u32 $0xE00, s31;
	s10 =	sadd.s32 $0x10, s10;
	v5 =	vmov s6  }
0x3c: {  	s31 =	sadd.s32 $0x40, s31;
	s15 =	sand.u32 $0x70, s10;
	s16 =	sshrl.u32 s16, $0x2;
	v5 =	vshll.u32 v5, $0x7;
	[tilespmem:v7+s11+$0x0] =	vst.idx.msk $0xffff, v6  }
0x3d: {  	_ =	sdelay $0x3  }
0x3e: {  	s6 =	sor.u32 s15, s16;
	v5 =	vor.u32 v1, v5;
	[tilespmem:v4+s11+$0x0] =	vst.idx.msk $0xffff, v3  }
0x3f: {  	v4 =	vld [tilespmem:s6+$0x400];
	v6 =	vor.u32 v0, v5  }
0x40: {  	v5 =	vor.u32 v2, v5;
	_ =	sdelay $0x3  }
0x41: {  	[tilespmem:v6+s11+$0x0] =	vst.idx.msk $0xffff, v4  }
0x42: {  	[tilespmem:v5+s11+$0x0] =	vst.idx.msk $0xffff, v3  }
0x43: {  	_ =	swait.ge [sflag:s30], $0x1000  }
0x44: {  	[sflag:s30] =	ssyncset.done $0x0  }
0x45: {  	[sflag:s30] =	ssyncadd.s32 $0xFFFFF000  }
0x46: {  	_ =	swait.ge [sflag:s30], $0x1000  }
0x47: {  	[sflag:s30] =	ssyncset.done $0x0  }
0x48: {  	[sflag:s30] =	ssyncadd.s32 $0xFFFFF000  }
0x49: {  	_ =	swait.ge [sflag:s30], $0x1000  }
0x4a: {  	[sflag:s30] =	ssyncset.done $0x0  }
0x4b: {  	[sflag:s30] =	ssyncadd.s32 $0xFFFFF000  }
0x4c: {  	_ =	swait.ge [sflag:s30], $0x1000  }
0x4d: {  	[sflag:s30] =	ssyncset.done $0x0  }
0x4e: {  	[sflag:s30] =	ssyncadd.s32 $0xFFFFF000  }
0x4f: {  	_ =	swait.ge [sflag:s30], $0x1000  }
0x50: {  	[sflag:s30] =	ssyncset.done $0x0  }
0x51: {  	[sflag:s30] =	ssyncadd.s32 $0xFFFFF000  }
0x52: {  	_ =	swait.ge [sflag:s30], $0x1000  }
0x53: {  	[sflag:s30] =	ssyncset.done $0x0  }
0x54: {  	[sflag:s30] =	ssyncadd.s32 $0xFFFFF000  }
0x55: {  	_ =	swait.ge [sflag:s30], $0x1000  }
0x56: {  	[sflag:s30] =	ssyncset.done $0x0  }
0x57: {  	[sflag:s30] =	ssyncadd.s32 $0xFFFFF000  }
0x58: {  	_ =	swait.ge [sflag:s30], $0x1000  }
0x59: {  	[sflag:s30] =	ssyncset.done $0x0  }
0x5a: {  	s2 =	sshll.u32 s2, $0x2;
	[sflag:s30] =	ssyncadd.s32 $0xFFFFF000  }
0x5b: {  	s31 =	sadd.s32 s8, s2;
	[bflag:$0x0] =	sbarrier.arrive $0xFFFF  }
0x5c: {  	[hbm4b:s31+s1] =	stream.linear.scatter [tilespmem:s11], [sflag:$0x2], $0x8000, $0x38;
	[tilespmem:$0x10800] =	vst v63  }
0x5d: {  	s0 =	sadd.s32 $0x1, s0;
	_ =	swait.ge [sflag:s12], $0x8000  }
0x5e: {  	p0 =	sne.s32 s0, $0xC;
	[sflag:s12] =	ssyncset.done $0x0  }
.Ltmp1:
0x5f: {  	s2 =	sadd.s32 s7, s2;
	[sflag:s12] =	ssyncadd.s32 $0xFFFF8000;
	(pc) =	sbr.rel @p0 .LBB2_2-.Ltmp1, $4  }
0x60: {  	[hbm4b:s2+s1] =	stream.linear.scatter [tilespmem:s14], [sflag:$0x2], $0x8000, $0x38;
	[tilespmem:$0x10800] =	vst v63  }
0x61: {  	_ =	swait.ge [sflag:s12], $0x8000  }
0x62: {  	[sflag:s12] =	ssyncset.done $0x0  }
0x63: {  	[sflag:s12] =	ssyncadd.s32 $0xFFFF8000  }
0x64: {  	s2 =	rddreg [dreg:$0x4]  }
0x65: {  	s0 =	rddreg [dreg:$0x3];
	s2 =	sadd.s32 $0x1, s2  }
0x66: {  	p0 =	sne.s32 s2, s0  }
.Ltmp2:
0x67: {  	_ = 	snop;
	(pc) =	sbr.rel @p0 .LBB2_1-.Ltmp2, $1  }
0x68: {  	_ =	sdelay $0x3  }
0x69: {  	_ =	sfence.sel $0x180000  }
0x6a: {  	[bflag:$0x0] =	sbarrier.arrive $0xFFFF  }
0x6b: {  	_ =	strace $0x90000047  }
0x6c: {  	s0 =	stileid.u32;
	[bflag:$0x2] =	sbarrier.arrive $0xFFFF  }
0x6d: {  	p0 =	sne.s32 s0, $0x0;
	s0 =	rddreg [dreg:$0x1]  }
0x6e: {  	s0 =	sadd.s32 @!p0 $0x100000, s0  }
0x6f: {  	[sflag:s0] =	ssyncadd.tile.s32 @!p0 $0x1;
	_ =	shalt  }
.Lfunc_end2:
_tile_overlayer_lowered:
.L_overlay_start_2:
0x70: {  	(tag) =	ssettag $0x2  }
0x71: {  	s0 =	rddreg [dreg:$0x0];
	s2 =	stileid.u32  }
0x72: {  	s1 =	rddreg [dreg:$0x1];
	p0 =	sne.s32 s2, $0x0  }
0x73: {  	s3 =	rddreg [dreg:$0x2];
	[bflag:$0x3] =	sbarrier.arrive $0xFFFF;
	s2 =	simm.s32 @!p0 $0x1C02  }
0x74: {  	[timem:s3], [sflag:s2] =	dma.local @!p0 [hbm:s0], s1  }
0x75: {  	s0 =	simm.s32 @!p0 $0x2  }
0x76: {  	_ =	swait.ge @!p0 [sflag:s0], s1  }
0x77: {  	s1 =	ssub.s32 @!p0 $0x0, s1;
	[sflag:s0] =	ssyncset.done @!p0 $0x0  }
0x78: {  	[sflag:s0] =	ssyncadd.s32 @!p0 s1  }
0x79: {  	[bflag:$0x3] =	sbarrier.arrive $0xFFFF  }
0x7a: {  	_ =	shalt  }

// kernel: kernel.9.cloned.1.call-start
scs
__scs_entry_jumppad:
0x0: {  	(pc) =	sbr.rel $0x88, $3  }
0x1: {  	(tag) =	ssettag $0x0;
	lr =	simm.s32 $0x1  }
0x2: {  	[smem:$0x3F9A] =	sst lr;
	_ =	strace $0xD0000000  }
0x3: {  	_ = 	snop  }
0x4: {  	_ = 	snop  }
0x5: {  	_ = 	snop  }
0x6: {  	_ = 	snop  }
0x7: {  	_ = 	snop  }
__scs_overlays_trampoline_lowered:
0x8: {  	[smem:$0x3FA9] =	sst s0  }
0x9: {  	[smem:$0x3FAA] =	sst s1  }
0xa: {  	[smem:$0x3FAB] =	sst s2  }
0xb: {  	[smem:$0x3FAC] =	sst s3  }
0xc: {  	[smem:$0x3FAD] =	sst s4  }
0xd: {  	[smem:$0x3FAE] =	sst s5  }
0xe: {  	[smem:$0x3FAF] =	sst s6  }
0xf: {  	[smem:$0x3FB0] =	sst s7  }
0x10: {  	[smem:$0x3FB1] =	sst s8  }
0x11: {  	[smem:$0x3FB2] =	sst s9;
	s0 =	simm.s32 @!p0 $0x0  }
0x12: {  	s1 =	sld [smem:$0x3F98];
	s0 =	simm.s32 @p0 $0x1  }
0x13: {  	[smem:$0x3FB3] =	sst s0;
	s0 =	simm.s32 @!p1 $0x0  }
0x14: {  	s2 =	sld [smem:$0x3F97];
	s0 =	simm.s32 @p1 $0x1  }
0x15: {  	[smem:$0x3FB4] =	sst s0;
	s0 =	simm.s32 @!p2 $0x0  }
0x16: {  	s3 =	sld [smem:$0x3FDB];
	s0 =	simm.s32 @p2 $0x1  }
0x17: {  	s4 =	simm.s32 $0x1BF5;
	[smem:$0x3FB6] =	sst s0  }
0x18: {  	s0 =	sld [smem:$0x3F99];
	_ =	swait.ge [sflag:s4], $0x0  }
0x19: {  	s7 =	sld [smem:$0x3F9A]  }
0x1a: {  	s8 =	sadd.s32 $0xFFFFE003, lr  }
0x1b: {  	s9 =	sadd.s32 $0xFFFFFEF7, lr;
	s5 =	simm.s32 $0xFFFFFFFF;
	p2 =	slt.u32 s8, $0xFFFFF086  }
0x1c: {  	p1 =	slt.u32 s9, $0xF7A;
	s5 =	simm.s32 @!p2 $0x0  }
0x1d: {  	s5 =	simm.s32 @p1 $0x1;
	p0 =	seq.s32 s7, s2  }
0x1e: {  	s7 =	smul.u32 @!p0 $0xF7A, s2;
	p2 =	seq.s32 @!p0 s5, $0x0  }
0x1f: {  	s9 =	smul.u32 $0xF7A, s1;
	s8 =	simm.s32 @!p0 $0x1BF5;
	p2 =	por !p2, p0  }
0x20: {  	[sflag:s8] =	ssyncset.s32 @!p0 $0xFFFFF086;
	s6 =	sadd.s32 @!p0 s3, s7;
	s7 =	simm.s32 @!p0 $0x108  }
0x21: {  	s3 =	sadd.s32 s3, s9;
	s6 =	sadd.s32 @!p0 $0x88, s6;
	s7 =	simm.s32 @p2 $0x1082  }
0x22: {  	[simem:s7], [sflag:s8] =	dma.local @!p0 [hbm:s6], $0xF7A  }
0x23: {  	s9 =	sor.u32 $0xD0000000, s2;
	s6 =	simm.s32 $0x108;
	_ =	swait.ge @!p0 [sflag:s8], $0x0  }
0x24: {  	s3 =	sadd.s32 $0x88, s3;
	s6 =	simm.s32 @!p1 $0x1082;
	[sflag:s4] =	ssyncset.s32 $0xFFFFF086  }
0x25: {  	[simem:s6], [sflag:s4] =	dma.local [hbm:s3], $0xF7A  }
0x26: {  	[smem:$0x3F9A] =	sst s1;
	(tag) =	ssettag s2;
	_ =	strace s9  }
0x27: {  	s1 =	sld [smem:$0x3FAA]  }
0x28: {  	s2 =	sld [smem:$0x3FAB]  }
0x29: {  	s4 =	sld [smem:$0x3FAD]  }
0x2a: {  	p0 =	seq.s32 s5, $0x0;
	s5 =	sld [smem:$0x3FAE]  }
0x2b: {  	s6 =	sld [smem:$0x3FAF]  }
0x2c: {  	s7 =	sld [smem:$0x3FB0]  }
0x2d: {  	s3 =	simm.s32 $0x108;
	s8 =	sld [smem:$0x3FB1]  }
0x2e: {  	s3 =	simm.s32 @!p0 $0x1082;
	s9 =	sld [smem:$0x3FB2]  }
0x2f: {  	lr =	sadd.s32 s0, s3;
	s0 =	sld [smem:$0x3FA9]  }
0x30: {  	s3 =	sld [smem:$0x3FAC]  }
0x31: {  	[smem:$0x3FB5] =	sst s10  }
0x32: {  	s10 =	sld [smem:$0x3FB3];
	_ =	sdelay $0x3  }
0x33: {  	p0 =	seq.s32 s10, $0x1;
	s10 =	sld [smem:$0x3FB5];
	_ =	sdelay $0x3  }
0x34: {  	[smem:$0x3FB5] =	sst s10  }
0x35: {  	s10 =	sld [smem:$0x3FB4];
	_ =	sdelay $0x3  }
0x36: {  	p1 =	seq.s32 s10, $0x1;
	s10 =	sld [smem:$0x3FB5];
	_ =	sdelay $0x3  }
0x37: {  	[smem:$0x3FB5] =	sst s10  }
0x38: {  	s10 =	sld [smem:$0x3FB6]  }
0x39: {  	_ = 	snop;
	(pc) =	sbr.ind lr, $3  }
0x3a: {  	_ = 	snop  }
0x3b: {  	_ = 	snop  }
0x3c: {  	p2 =	seq.s32 s10, $0x1;
	s10 =	sld [smem:$0x3FB5]  }
0x3d: {  	_ =	shalt  }
0x3e: {  	_ =	shalt  }
0x3f: {  	_ =	shalt  }
0x40: {  	_ =	shalt  }
0x41: {  	_ =	shalt  }
0x42: {  	_ =	shalt  }
0x43: {  	_ =	shalt  }
0x44: {  	_ =	shalt  }
0x45: {  	_ =	shalt  }
0x46: {  	_ =	shalt  }
0x47: {  	_ =	shalt  }
0x48: {  	_ =	shalt  }
0x49: {  	_ =	shalt  }
0x4a: {  	_ =	shalt  }
0x4b: {  	_ =	shalt  }
0x4c: {  	_ =	shalt  }
0x4d: {  	_ =	shalt  }
0x4e: {  	_ =	shalt  }
0x4f: {  	_ =	shalt  }
0x50: {  	_ =	shalt  }
0x51: {  	_ =	shalt  }
0x52: {  	_ =	shalt  }
0x53: {  	_ =	shalt  }
0x54: {  	_ =	shalt  }
0x55: {  	_ =	shalt  }
0x56: {  	_ =	shalt  }
0x57: {  	_ =	shalt  }
0x58: {  	_ =	shalt  }
0x59: {  	_ =	shalt  }
0x5a: {  	_ =	shalt  }
0x5b: {  	_ =	shalt  }
0x5c: {  	_ =	shalt  }
0x5d: {  	_ =	shalt  }
0x5e: {  	_ =	shalt  }
0x5f: {  	_ =	shalt  }
0x60: {  	_ =	shalt  }
0x61: {  	_ =	shalt  }
0x62: {  	_ =	shalt  }
0x63: {  	_ =	shalt  }
0x64: {  	_ =	shalt  }
0x65: {  	_ =	shalt  }
0x66: {  	_ =	shalt  }
0x67: {  	_ =	shalt  }
0x68: {  	_ =	shalt  }
0x69: {  	_ =	shalt  }
0x6a: {  	_ =	shalt  }
0x6b: {  	_ =	shalt  }
0x6c: {  	_ =	shalt  }
0x6d: {  	_ =	shalt  }
0x6e: {  	_ =	shalt  }
0x6f: {  	_ =	shalt  }
0x70: {  	_ =	shalt  }
0x71: {  	_ =	shalt  }
0x72: {  	_ =	shalt  }
0x73: {  	_ =	shalt  }
0x74: {  	_ =	shalt  }
0x75: {  	_ =	shalt  }
0x76: {  	_ =	shalt  }
0x77: {  	_ =	shalt  }
0x78: {  	_ =	shalt  }
0x79: {  	_ =	shalt  }
0x7a: {  	_ =	shalt  }
0x7b: {  	_ =	shalt  }
0x7c: {  	_ =	shalt  }
0x7d: {  	_ =	shalt  }
0x7e: {  	_ =	shalt  }
0x7f: {  	_ =	shalt  }
0x80: {  	_ =	shalt  }
0x81: {  	_ =	shalt  }
0x82: {  	_ =	shalt  }
0x83: {  	_ =	shalt  }
0x84: {  	_ =	shalt  }
0x85: {  	_ =	shalt  }
0x86: {  	_ =	shalt  }
0x87: {  	_ =	shalt  }
.Lfunc_end0:
.L_simem_size_0:
called_computation.1_lowered:
.L_overlay_start_0:
0x88: {  	s2 =	sld [smem:$0x3FD9]  }
0x89: {  	s3 =	sld [smem:$0x3FFE];
	_ =	sdelay $0x1  }
0x8a: {  	s1 =	srdreg.scid  }
0x8b: {  	s0 =	sand.u32 $0x1, s1  }
0x8c: {  	s17 =	sshll.u32 s0, $0xA;
	s2 =	sadd.s32 s3, s2  }
0x8d: {  	s2 =	sadd.s32 s2, s17  }
0x8e: {  	[smem:$0x3FC1] =	sst s2  }
0x8f: {  	_ = 	snop  }
0x90: {  	(tm) =	ssettm $0x1  }
0x91: {  	s18 =	sld [smem:$0x3FFB];
	_ =	sdelay $0x3  }
0x92: {  	_ =	strace s18  }
0x93: {  	s2 =	sld [smem:$0x3FFC];
	_ =	sdelay $0x3  }
0x94: {  	_ =	strace s2  }
0x95: {  	s2 =	sld [smem:$0x3FFD];
	_ =	sdelay $0x3  }
0x96: {  	_ =	strace s2  }
0x97: {  	_ =	strace $0x8FFFFFFF  }
0x98: {  	s19 =	sld [smem:$0x3FDB];
	_ =	sdelay $0x1  }
0x99: {  	s20 =	simm.s32 $_scs_section_size  }
0x9a: {  	s4 =	simm.s32 $_size__tile_overlayer_lowered;
	s5 =	simm.s32 $_tile_overlayer_lowered  }
0x9b: {  	s6 =	simm.s32 $0x1BFF;
	s21 =	sshll.u32 s5, $0x1;
	s3 =	sadd.s32 s20, s19  }
0x9c: {  	s22 =	simm.s32 $0x0;
	s4 =	sshll.u32 s4, $0x1;
	s5 =	sadd.s32 s21, s3  }
0x9d: {  	[timem:s22], [sflag:s6] =	dma.local [hbm:s5], s4  }
0x9e: {  	_ =	swait.ge [sflag:s6], s4  }
0x9f: {  	s4 =	ssub.s32 $0x0, s4;
	[sflag:s6] =	ssyncset.done $0x0  }
0xa0: {  	[sflag:s6] =	ssyncadd.s32 s4;
	_ =	sdelay $0x1  }
0xa1: {  	s23 =	simm.s32 $0x1B8B  }
0xa2: {  	_ =	swait.ge [sflag:s23], $0x1  }
0xa3: {  	[sflag:s23] =	ssyncset.done $0x0  }
0xa4: {  	[sflag:s23] =	ssyncadd.s32 $0xFFFFFFFF  }
0xa5: {  	s4 =	sld [smem:$0x0]  }
0xa6: {  	s5 =	sand.u32 $0xFFFFFFFE, s1  }
0xa7: {  	p0 =	sne.s32 s1, s5  }
0xa8: {  	s5 =	sshll.u32 @p0 s5, $0xE  }
0xa9: {  	s5 =	sadd.s32 @p0 $0x11B8D, s5;
	s6 =	sshll.u32 @p0 s4, $0x11  }
0xaa: {  	s5 =	sor.u32 @p0 s6, s5  }
0xab: {  	[sflag:s5] =	ssyncadd.remote.s32 @p0 $0x1;
	_ =	sdelay $0x1  }
0xac: {  	s5 =	simm.s32 @p0 $0x1B8D  }
0xad: {  	_ =	swait.eq @p0 [sflag:s5], $0x1  }
0xae: {  	[sflag:s5] =	ssyncadd.s32 @p0 $0xFFFFFFFF  }
0xaf: {  	s6 =	sshll.u32 @!p0 s1, $0xE  }
0xb0: {  	s6 =	sor.u32 @!p0 $0x4000, s6;
	s5 =	simm.s32 @!p0 $0x1B8D  }
0xb1: {  	s4 =	sshll.u32 @!p0 s4, $0x11;
	s6 =	sadd.s32 @!p0 $0x11B8D, s6;
	_ =	swait.eq @!p0 [sflag:s5], $0x1  }
0xb2: {  	s4 =	sor.u32 @!p0 s4, s6;
	[sflag:s5] =	ssyncadd.s32 @!p0 $0xFFFFFFFF  }
0xb3: {  	s25 =	simm.s32 $0x1B8E;
	s24 =	sld [smem:$0x3FFE];
	[sflag:s4] =	ssyncadd.remote.s32 @!p0 $0x1  }
0xb4: {  	s26 =	simm.s32 $execute0_lowered;
	[smem:$0x3FD2] =	sst s25  }
0xb5: {  	s5 =	sshll.u32 s26, $0x1;
	_ =	strace $0x80000049;
	[dreg:$0x1] =	wrdreg $0xFFFFFFFF  }
0xb6: {  	s28 =	simm.s32 $_size_execute0_lowered;
	s3 =	sadd.s32 s3, s5;
	[dreg:$0x0] =	wrdreg $0x0  }
0xb7: {  	s5 =	sshll.u32 s28, $0x1;
	[dreg:$0x2] =	wrdreg s3  }
0xb8: {  	[dreg:$0x3] =	wrdreg s5  }
0xb9: {  	[dreg:$0x4] =	wrdreg $0xC0  }
0xba: {  	_ =	task [dreg:s22], $0x5FFFF  }
0xbb: {  	[dreg:$0x1] =	wrdreg $0xFFFFFFFF  }
0xbc: {  	[dreg:$0x0] =	wrdreg $0x60  }
0xbd: {  	[dreg:$0x2] =	wrdreg s24  }
0xbe: {  	[dreg:$0x3] =	wrdreg $0xA  }
0xbf: {  	_ =	task.clear_ibuf [dreg:s22], $0x4FFFF;
	_ =	strace $0x90000049  }
0xc0: {  	s29 =	simm.s32 $0xA;
	_ =	strace $0x8000004B  }
0xc1: {  	_ =	swait.ge [sflag:s29], $0x1  }
0xc2: {  	[sflag:s29] =	ssyncadd.s32 $0xFFFFFFFF  }
0xc3: {  	_ =	strace $0x9000004B  }
0xc4: {  	_ =	sfence  }
0xc5: {  	s30 =	sld [smem:$0x0];
	_ =	sdelay $0x2  }
0xc6: {  	s31 =	sshll.u32 s1, $0xD;
	s1 =	sshrl.u32 s1, $0x2  }
0xc7: {  	s4 =	sand.u32 $0x4000, s31;
	s1 =	sadd.s32 s1, s30  }
0xc8: {  	s0 =	sor.u32 s4, s0;
	s1 =	sshll.u32 s1, $0x11  }
0xc9: {  	s0 =	sor.u32 s1, s0  }
0xca: {  	s0 =	sadd.s32 $0x8F2B, s0  }
0xcb: {  	[sflag:s0] =	ssyncadd.remote.s32 $0x1  }
0xcc: {  	_ =	sfence.sel $0xFFFF  }
0xcd: {  	[dreg:$0x0] =	wrdreg $0xFFFFFFFF;
	(pc) =	sbr.abs _section_cstart, $3  }
0xce: {  	[dreg:$0x1] =	wrdreg $0xFFFFFFFF  }
0xcf: {  	_ =	task.clear_ibuf [dreg:s22], $0x2FFFF;
	_ =	strace $0x9FFFFFFF  }
0xd0: {  	(tm) =	ssettm $0x7FFFFFFF  }
0xd1: {  	_ =	shalt  }
tec
execute0_lowered:
.L_overlay_start_1:
0x0: {  	(tag) =	ssettag $0x1  }
0x1: {  	s0 =	rddreg [dreg:$0x0]  }
0x2: {  	s1 =	simm.s32 $0x0;
	s2 =	srdreg.scid;
	s7 =	stileid.u32  }
0x3: {  	s11 =	simm.s32 $0x8800;
	s12 =	simm.s32 $0x2;
	s13 =	simm.s32 $0x80  }
0x4: {  	s14 =	simm.s32 $0x800;
	s17 =	simm.s32 $0x2800;
	s18 =	simm.s32 $0x180  }
0x5: {  	s19 =	simm.s32 $0x3800;
	s20 =	simm.s32 $0x200;
	s21 =	simm.s32 $0x4800  }
0x6: {  	s22 =	simm.s32 $0x280;
	s23 =	simm.s32 $0x5800;
	s24 =	simm.s32 $0x300  }
0x7: {  	s25 =	simm.s32 $0x6800;
	s28 =	simm.s32 $0x7800;
	s29 =	simm.s32 $0x400  }
0x8: {  	s30 =	simm.s32 $0x1;
	[smem:$0x7FF] =	sst s1;
	s3 =	sadd.s32 $0xF43600, s0  }
0x9: {  	s4 =	sadd.s32 $0x31A200, s0;
	s5 =	sadd.s32 $0x327200, s0;
	s2 =	sand.u32 $0x1, s2  }
0xa: {  	v1 =	vlaneseq.u32;
	s6 =	sadd.s32 $0x19200, s0;
	s8 =	sshll.u32 s7, $0x1;
	s26 =	ssub.s32 $0x2, s2  }
0xb: {  	s7 =	sadd.s32 $0x334200, s0;
	v0 =	vand.u32 $0x3, v1;
	_ =	strace $0x8000004A;
	s9 =	sshrl.u32 s26, $0x1  }
0xc: {  	v1 =	vshrl.u32 v1, $0x2;
	[dreg:$0x2] =	wrdreg s6;
	s2 =	sor.u32 s2, s8;
	v0 =	vmul.u32 $0x20, v0;
	s31 =	ssub.s32 s26, s9  }
0xd: {  	s8 =	sadd.s32 $0x4D4200, s0;
	v1 =	vmul.u32 $0x80, v1;
	s9 =	smul.u32 $0x3400, s2;
	s0 =	smax.u32 s31, $0x1  }
0xe: {  	v3 =	vimm.f32 $1.000000000e+00;
	s26 =	simm.s32 $0x380;
	v2 =	vor.u32 $0x1, v0;
	s2 =	simm.s32 $0x0;
	[dreg:$0x3] =	wrdreg s0  }
.LBB2_1:
0xf: {  	[dreg:$0x4] =	wrdreg s2  }
0x10: {  	s0 =	rddreg [dreg:$0x2]  }
0x11: {  	[tilespmem:s11], [sflag:$0x2] =	stream.linear.gather [hbm4b:s0+s1], $0x8000, $0x38;
	[tilespmem:$0x10800] =	vst v63  }
0x12: {  	_ =	swait.ge [sflag:s12], $0x8000  }
0x13: {  	[sflag:s12] =	ssyncset.done $0x0  }
0x14: {  	s0 =	simm.s32 $0x0;
	[sflag:s12] =	ssyncadd.s32 $0xFFFF8000  }
.LBB2_2:
0x15: {  	s2 =	sshll.u32 s0, $0xA  }
0x16: {  	s2 =	sadd.s32 s9, s2  }
0x17: {  	s6 =	sshrl.u32 s2, $0x3  }
0x18: {  	s15 =	simm.s32 $0x0;
	s10 =	sadd.s32 s4, s6  }
0x19: {  	[tilespmem:s15], [sflag:$0x2] =	stream.linear.gather [hbm4b:s10+s15], $0x400, $0x38;
	[tilespmem:$0x10800] =	vst v63  }
0x1a: {  	_ =	swait.ge [sflag:s12], $0x400  }
0x1b: {  	[sflag:s12] =	ssyncset.done $0x0  }
0x1c: {  	[sflag:s12] =	ssyncadd.s32 $0xFFFFFC00  }
0x1d: {  	[tilespmem:s14], [sflag:$0x1] =	stream.indirect.gather [hbm4b:s3+s13], $0x20, s15, s13, $0xb8;
	[tilespmem:$0x10800] =	vst v63  }
0x1e: {  	s16 =	simm.s32 $0x1800  }
0x1f: {  	[tilespmem:s16], [sflag:$0x1] =	stream.indirect.gather [hbm4b:s3+s13], $0x20, s13, s13, $0xb8;
	[tilespmem:$0x10800] =	vst v63  }
0x20: {  	s16 =	simm.s32 $0x100  }
0x21: {  	[tilespmem:s17], [sflag:$0x1] =	stream.indirect.gather [hbm4b:s3+s13], $0x20, s16, s13, $0xb8;
	[tilespmem:$0x10800] =	vst v63  }
0x22: {  	_ = 	snop  }
0x23: {  	[tilespmem:s19], [sflag:$0x1] =	stream.indirect.gather [hbm4b:s3+s13], $0x20, s18, s13, $0xb8;
	[tilespmem:$0x10800] =	vst v63  }
0x24: {  	_ = 	snop  }
0x25: {  	[tilespmem:s21], [sflag:$0x1] =	stream.indirect.gather [hbm4b:s3+s13], $0x20, s20, s13, $0xb8;
	[tilespmem:$0x10800] =	vst v63  }
0x26: {  	_ = 	snop  }
0x27: {  	[tilespmem:s23], [sflag:$0x1] =	stream.indirect.gather [hbm4b:s3+s13], $0x20, s22, s13, $0xb8;
	[tilespmem:$0x10800] =	vst v63  }
0x28: {  	_ = 	snop  }
0x29: {  	[tilespmem:s25], [sflag:$0x1] =	stream.indirect.gather [hbm4b:s3+s13], $0x20, s24, s13, $0xb8;
	[tilespmem:$0x10800] =	vst v63  }
0x2a: {  	_ = 	snop  }
0x2b: {  	[tilespmem:s28], [sflag:$0x1] =	stream.indirect.gather [hbm4b:s3+s13], $0x20, s26, s13, $0xb8;
	[tilespmem:$0x10800] =	vst v63  }
0x2c: {  	s6 =	sadd.s32 s5, s6  }
0x2d: {  	[tilespmem:s29], [sflag:$0x2] =	stream.linear.gather [hbm4b:s6+s15], $0x400, $0x38;
	[tilespmem:$0x10800] =	vst v63  }
0x2e: {  	v4 =	vmov s15;
	s10 =	sand.u32 $0xE00, s15;
	_ =	swait.ge [sflag:s12], $0x400  }
0x2f: {  	v4 =	vshll.u32 v4, $0x7;
	s15 =	sand.u32 $0x70, s15;
	s6 =	sshrl.u32 s10, $0x2;
	[sflag:s12] =	ssyncset.done $0x0  }
0x30: {  	v4 =	vor.u32 v1, v4;
	s6 =	sor.u32 s15, s6;
	[sflag:s12] =	ssyncadd.s32 $0xFFFFFC00  }
0x31: {  	v7 =	vor.u32 v0, v4;
	v6 =	vld [tilespmem:s6+$0x400]  }
0x32: {  	v4 =	vor.u32 v2, v4;
	_ =	sdelay $0x1  }
0x33: {  	s16 =	simm.s32 $0x40;
	s6 =	simm.s32 $0x4  }
0x34: {  	s16 =	sand.u32 $0xE00, s16;
	s10 =	simm.s32 $0x10;
	v5 =	vmov s6  }
0x35: {  	s31 =	simm.s32 $0x80;
	s16 =	sshrl.u32 s16, $0x2;
	s15 =	sand.u32 $0x70, s10;
	v5 =	vshll.u32 v5, $0x7;
	[tilespmem:v7+s11+$0x0] =	vst.idx.msk $0xffff, v6  }
.LBB2_3:
0x36: {  	p0 =	sne.s32 s31, $0xFC0;
	s15 =	sor.u32 s15, s16;
	v5 =	vor.u32 v1, v5;
	[tilespmem:v4+s11+$0x0] =	vst.idx.msk $0xffff, v3  }
0x37: {  	v6 =	vld [tilespmem:s15+$0x400];
	v7 =	vor.u32 v0, v5  }
.Ltmp0:
0x38: {  	v4 =	vor.u32 v2, v5;
	(pc) =	sbr.rel @p0 .LBB2_3-.Ltmp0, $4  }
0x39: {  	_ = 	snop  }
0x3a: {  	s6 =	sadd.s32 $0x4, s6  }
0x3b: {  	s16 =	sand.u32 $0xE00, s31;
	s10 =	sadd.s32 $0x10, s10;
	v5 =	vmov s6  }
0x3c: {  	s31 =	sadd.s32 $0x40, s31;
	s15 =	sand.u32 $0x70, s10;
	s16 =	sshrl.u32 s16, $0x2;
	v5 =	vshll.u32 v5, $0x7;
	[tilespmem:v7+s11+$0x0] =	vst.idx.msk $0xffff, v6  }
0x3d: {  	_ =	sdelay $0x3  }
0x3e: {  	s6 =	sor.u32 s15, s16;
	v5 =	vor.u32 v1, v5;
	[tilespmem:v4+s11+$0x0] =	vst.idx.msk $0xffff, v3  }
0x3f: {  	v4 =	vld [tilespmem:s6+$0x400];
	v6 =	vor.u32 v0, v5  }
0x40: {  	v5 =	vor.u32 v2, v5;
	_ =	sdelay $0x3  }
0x41: {  	[tilespmem:v6+s11+$0x0] =	vst.idx.msk $0xffff, v4  }
0x42: {  	[tilespmem:v5+s11+$0x0] =	vst.idx.msk $0xffff, v3  }
0x43: {  	_ =	swait.ge [sflag:s30], $0x1000  }
0x44: {  	[sflag:s30] =	ssyncset.done $0x0  }
0x45: {  	[sflag:s30] =	ssyncadd.s32 $0xFFFFF000  }
0x46: {  	_ =	swait.ge [sflag:s30], $0x1000  }
0x47: {  	[sflag:s30] =	ssyncset.done $0x0  }
0x48: {  	[sflag:s30] =	ssyncadd.s32 $0xFFFFF000  }
0x49: {  	_ =	swait.ge [sflag:s30], $0x1000  }
0x4a: {  	[sflag:s30] =	ssyncset.done $0x0  }
0x4b: {  	[sflag:s30] =	ssyncadd.s32 $0xFFFFF000  }
0x4c: {  	_ =	swait.ge [sflag:s30], $0x1000  }
0x4d: {  	[sflag:s30] =	ssyncset.done $0x0  }
0x4e: {  	[sflag:s30] =	ssyncadd.s32 $0xFFFFF000  }
0x4f: {  	_ =	swait.ge [sflag:s30], $0x1000  }
0x50: {  	[sflag:s30] =	ssyncset.done $0x0  }
0x51: {  	[sflag:s30] =	ssyncadd.s32 $0xFFFFF000  }
0x52: {  	_ =	swait.ge [sflag:s30], $0x1000  }
0x53: {  	[sflag:s30] =	ssyncset.done $0x0  }
0x54: {  	[sflag:s30] =	ssyncadd.s32 $0xFFFFF000  }
0x55: {  	_ =	swait.ge [sflag:s30], $0x1000  }
0x56: {  	[sflag:s30] =	ssyncset.done $0x0  }
0x57: {  	[sflag:s30] =	ssyncadd.s32 $0xFFFFF000  }
0x58: {  	_ =	swait.ge [sflag:s30], $0x1000  }
0x59: {  	[sflag:s30] =	ssyncset.done $0x0  }
0x5a: {  	s2 =	sshll.u32 s2, $0x2;
	[sflag:s30] =	ssyncadd.s32 $0xFFFFF000  }
0x5b: {  	s31 =	sadd.s32 s8, s2;
	[bflag:$0x0] =	sbarrier.arrive $0xFFFF  }
0x5c: {  	[hbm4b:s31+s1] =	stream.linear.scatter [tilespmem:s11], [sflag:$0x2], $0x8000, $0x38;
	[tilespmem:$0x10800] =	vst v63  }
0x5d: {  	s0 =	sadd.s32 $0x1, s0;
	_ =	swait.ge [sflag:s12], $0x8000  }
0x5e: {  	p0 =	sne.s32 s0, $0xD;
	[sflag:s12] =	ssyncset.done $0x0  }
.Ltmp1:
0x5f: {  	s2 =	sadd.s32 s7, s2;
	[sflag:s12] =	ssyncadd.s32 $0xFFFF8000;
	(pc) =	sbr.rel @p0 .LBB2_2-.Ltmp1, $4  }
0x60: {  	[hbm4b:s2+s1] =	stream.linear.scatter [tilespmem:s14], [sflag:$0x2], $0x8000, $0x38;
	[tilespmem:$0x10800] =	vst v63  }
0x61: {  	_ =	swait.ge [sflag:s12], $0x8000  }
0x62: {  	[sflag:s12] =	ssyncset.done $0x0  }
0x63: {  	[sflag:s12] =	ssyncadd.s32 $0xFFFF8000  }
0x64: {  	s2 =	rddreg [dreg:$0x4]  }
0x65: {  	s0 =	rddreg [dreg:$0x3];
	s2 =	sadd.s32 $0x1, s2  }
0x66: {  	p0 =	sne.s32 s2, s0  }
.Ltmp2:
0x67: {  	_ = 	snop;
	(pc) =	sbr.rel @p0 .LBB2_1-.Ltmp2, $1  }
0x68: {  	_ =	sdelay $0x3  }
0x69: {  	_ =	sfence.sel $0x180000  }
0x6a: {  	[bflag:$0x0] =	sbarrier.arrive $0xFFFF  }
0x6b: {  	_ =	strace $0x9000004A  }
0x6c: {  	s0 =	stileid.u32;
	[bflag:$0x2] =	sbarrier.arrive $0xFFFF  }
0x6d: {  	p0 =	sne.s32 s0, $0x0;
	s0 =	rddreg [dreg:$0x1]  }
0x6e: {  	s0 =	sadd.s32 @!p0 $0x100000, s0  }
0x6f: {  	[sflag:s0] =	ssyncadd.tile.s32 @!p0 $0x1;
	_ =	shalt  }
.Lfunc_end2:
_tile_overlayer_lowered:
.L_overlay_start_2:
0x70: {  	(tag) =	ssettag $0x2  }
0x71: {  	s0 =	rddreg [dreg:$0x0];
	s2 =	stileid.u32  }
0x72: {  	s1 =	rddreg [dreg:$0x1];
	p0 =	sne.s32 s2, $0x0  }
0x73: {  	s3 =	rddreg [dreg:$0x2];
	[bflag:$0x3] =	sbarrier.arrive $0xFFFF;
	s2 =	simm.s32 @!p0 $0x1C02  }
0x74: {  	[timem:s3], [sflag:s2] =	dma.local @!p0 [hbm:s0], s1  }
0x75: {  	s0 =	simm.s32 @!p0 $0x2  }
0x76: {  	_ =	swait.ge @!p0 [sflag:s0], s1  }
0x77: {  	s1 =	ssub.s32 @!p0 $0x0, s1;
	[sflag:s0] =	ssyncset.done @!p0 $0x0  }
0x78: {  	[sflag:s0] =	ssyncadd.s32 @!p0 s1  }
0x79: {  	[bflag:$0x3] =	sbarrier.arrive $0xFFFF  }
0x7a: {  	_ =	shalt  }

</sc_bundles>
